<compile_context>
chip_gen: v7x
topology: tpu7x:2x2x1
jax: 0.10.2.dev20260603
libtpu: 0.0.44.dev20260713+nightly
codegen_flags: <defaults>
</compile_context>

<pallas_src>
import functools

import jax
import jax.numpy as jnp
from jax import lax
from jax.experimental import pallas as pl
from jax.experimental.pallas import tpu as pltpu
from jax.experimental.pallas import tpu_sc as plsc

B = 4096
D = 128
NC = 2
NS = 16
L = 16
NW = NC * NS
BPW = B // NW

_mesh = plsc.VectorSubcoreMesh(core_axis_name="c", subcore_axis_name="s")

def _make_sc_gather(batch):
    bpw = batch // NW

    def _sc_gather_body(uid_hbm, iid_hbm, uemb_hbm, iemb_hbm, ubias_hbm,
                        ibias_hbm, inter_out, bias_out,
                        uidx_v, iidx_v, urows, irows, ubv, ibv, sem):
        wid = lax.axis_index("s") * NC + lax.axis_index("c")
        base = wid * bpw
        pltpu.sync_copy(uid_hbm.at[pl.ds(base, bpw)], uidx_v)
        pltpu.sync_copy(iid_hbm.at[pl.ds(base, bpw)], iidx_v)
        cu = pltpu.async_copy(uemb_hbm.at[uidx_v], urows, sem)
        ci = pltpu.async_copy(iemb_hbm.at[iidx_v], irows, sem)
        cub = pltpu.async_copy(ubias_hbm.at[uidx_v], ubv, sem)
        cib = pltpu.async_copy(ibias_hbm.at[iidx_v], ibv, sem)
        cu.wait()
        ci.wait()
        cub.wait()
        cib.wait()

        @plsc.parallel_loop(0, bpw, 1, unroll=2)
        def _mul(r):
            for cc in range(D // L):
                sl = pl.ds(cc * L, L)
                urows[r, sl] = urows[r, sl] * irows[r, sl]

        for k in range(bpw // L):
            sl = pl.ds(k * L, L)
            ubv[sl] = ubv[sl] + ibv[sl]
        pltpu.sync_copy(urows, inter_out.at[pl.ds(base, bpw)])
        pltpu.sync_copy(ubv, bias_out.at[pl.ds(base, bpw)])

    return pl.kernel(
        _sc_gather_body,
        mesh=_mesh,
        out_type=[
            jax.ShapeDtypeStruct((batch, D), jnp.float32),
            jax.ShapeDtypeStruct((batch,), jnp.float32),
        ],
        scratch_types=[
            pltpu.VMEM((bpw,), jnp.int32),
            pltpu.VMEM((bpw,), jnp.int32),
            pltpu.VMEM((bpw, D), jnp.float32),
            pltpu.VMEM((bpw, D), jnp.float32),
            pltpu.VMEM((bpw,), jnp.float32),
            pltpu.VMEM((bpw,), jnp.float32),
            pltpu.SemaphoreType.DMA,
        ],
    )


HB = B // 2
_sc_gather_half = _make_sc_gather(HB)


def _tc_body(inter_ref, bias_ref, gb_ref, w1_ref,
             b1_ref, w2_ref, b2_ref, w3_ref, b3_ref, out_ref):
    x = inter_ref[...]
    cf = jnp.sum(x, axis=1, keepdims=True)
    cf = cf + bias_ref[...].reshape(-1, 1) + gb_ref[0, 0]
    h = jnp.maximum(jnp.dot(x, w1_ref[...], preferred_element_type=jnp.float32)
                    + b1_ref[...], 0.0)
    h = jnp.maximum(jnp.dot(h, w2_ref[...], preferred_element_type=jnp.float32)
                    + b2_ref[...], 0.0)
    mlp = jnp.dot(h, w3_ref[...], preferred_element_type=jnp.float32) + b3_ref[...]
    out_ref[...] = (cf + mlp).reshape(1, -1)


def _tc_call(inter, biasg, global_bias, W1, b1, W2, b2, W3, b3):
    n = inter.shape[0]
    out = pl.pallas_call(
        _tc_body,
        out_shape=jax.ShapeDtypeStruct((1, n), jnp.float32),
    )(inter, biasg.reshape(1, n), global_bias.reshape(1, 1), W1,
      b1.reshape(1, 128), W2, b2.reshape(1, 64), W3, b3.reshape(1, 1))
    return out.reshape(n)


def kernel(user_ids, pos_item_ids, user_emb, item_emb, user_bias, item_bias,
           global_bias, W1, b1, W2, b2, W3, b3):
    uid = user_ids.astype(jnp.int32)
    iid = pos_item_ids.astype(jnp.int32)
    ub1 = user_bias.reshape(-1)
    ib1 = item_bias.reshape(-1)
    halves = []
    for h in range(2):
        s = slice(h * HB, (h + 1) * HB)
        inter, biasg = _sc_gather_half(uid[s], iid[s], user_emb, item_emb,
                                       ub1, ib1)
        halves.append(_tc_call(inter, biasg, global_bias, W1, b1, W2, b2,
                               W3, b3))
    return jnp.concatenate(halves)

# --- scband reference (transcript-rebuilt; emitter-appended) ---
"""Pipeline reference for scband-dual-personalized-bprmf-24988119728276 (READ-ONLY COPY).

The authoritative reference and input builder live on the scoring server;
editing this copy changes nothing except your own understanding.
"""

import jax, jax.numpy as jnp
import numpy as np

NUM_USERS = 100000
NUM_ITEMS = 100000
D = 128
B = 4096

def _xavier(k, shape):
    fan_in, fan_out = shape[0], shape[1]
    lim = (6.0 / (fan_in + fan_out)) ** 0.5
    return jax.random.uniform(k, shape, minval=-lim, maxval=lim, dtype=jnp.float32)

def setup_inputs(seed: int = 0):
    key = jax.random.key(seed)
    ks = jax.random.split(key, 12)
    user_ids = jax.random.randint(ks[0], (B,), 0, NUM_USERS, dtype=jnp.int64 if jax.config.jax_enable_x64 else jnp.int32)
    pos_item_ids = jax.random.randint(ks[1], (B,), 0, NUM_ITEMS, dtype=jnp.int64 if jax.config.jax_enable_x64 else jnp.int32)
    user_emb = _xavier(ks[2], (NUM_USERS, D))
    item_emb = _xavier(ks[3], (NUM_ITEMS, D))
    user_bias = jax.random.normal(ks[4], (NUM_USERS, 1), dtype=jnp.float32) * 0.01
    item_bias = jax.random.normal(ks[5], (NUM_ITEMS, 1), dtype=jnp.float32) * 0.01
    global_bias = jnp.zeros((1,), dtype=jnp.float32)
    W1 = _xavier(ks[6], (D, 128)); b1 = jnp.zeros((128,), dtype=jnp.float32)
    W2 = _xavier(ks[7], (128, 64)); b2 = jnp.zeros((64,), dtype=jnp.float32)
    W3 = _xavier(ks[8], (64, 1)); b3 = jnp.zeros((1,), dtype=jnp.float32)
    return {
        "user_ids": user_ids, "pos_item_ids": pos_item_ids,
        "user_emb": user_emb, "item_emb": item_emb,
        "user_bias": user_bias, "item_bias": item_bias, "global_bias": global_bias,
        "W1": W1, "b1": b1, "W2": W2, "b2": b2, "W3": W3, "b3": b3,
    }

def reference(user_ids, pos_item_ids, user_emb, item_emb, user_bias, item_bias, global_bias, W1, b1, W2, b2, W3, b3):
    # get_effective_embedding with alpha=1.0 and no global prototype -> plain user embedding lookup
    ue = jnp.take(user_emb, user_ids, axis=0)
    ie = jnp.take(item_emb, pos_item_ids, axis=0)
    cf_score = jnp.sum(ue * ie, axis=1)
    ub = jnp.take(user_bias, user_ids, axis=0).squeeze(-1)
    ib = jnp.take(item_bias, pos_item_ids, axis=0).squeeze(-1)
    cf_score = global_bias[0] + ub + ib + cf_score
    interaction = ue * ie
    h = jax.nn.relu(interaction @ W1 + b1)
    h = jax.nn.relu(h @ W2 + b2)
    mlp_score = (h @ W3 + b3).squeeze(-1)
    # fusion_type == 'add'
    return cf_score + mlp_score

if __name__ == "__main__":
    import jax
    _d = setup_inputs()
    print(jax.jit(kernel)(*tuple(_d.values())))

</pallas_src>

<mosaic_0001>
#map = affine_map<(d0, d1) -> (0)>
#map1 = affine_map<(d0, d1) -> (0, 0)>
module attributes {stable_mosaic.version = 14 : i64} {
  func.func @_sc_gather_body(%arg0: i32, %arg1: i32, %arg2: memref<2048xi32, #tpu.memory_space<hbm>>, %arg3: memref<2048xi32, #tpu.memory_space<hbm>>, %arg4: memref<100000x128xf32, #tpu.memory_space<hbm>>, %arg5: memref<100000x128xf32, #tpu.memory_space<hbm>>, %arg6: memref<100000xf32, #tpu.memory_space<hbm>>, %arg7: memref<100000xf32, #tpu.memory_space<hbm>>, %arg8: memref<2048x128xf32, #tpu.memory_space<hbm>>, %arg9: memref<2048xf32, #tpu.memory_space<hbm>>, %arg10: memref<64xi32, #tpu.memory_space<vmem>>, %arg11: memref<64xi32, #tpu.memory_space<vmem>>, %arg12: memref<64x128xf32, #tpu.memory_space<vmem>>, %arg13: memref<64x128xf32, #tpu.memory_space<vmem>>, %arg14: memref<64xf32, #tpu.memory_space<vmem>>, %arg15: memref<64xf32, #tpu.memory_space<vmem>>, %arg16: memref<!tpu.dma_semaphore, #tpu.memory_space<semaphore_mem>>) attributes {dimension_semantics = [#tpu.dimension_semantics<core_parallel>, #tpu.dimension_semantics<subcore_parallel>], iteration_bounds = array<i64: 2, 16>, scalar_prefetch = 0 : i64, scratch_operands = 7 : i64, tpu.core_type = #tpu.core_type<sc_vector_subcore>, window_params = [{transform_indices = #map}, {transform_indices = #map}, {transform_indices = #map1}, {transform_indices = #map1}, {transform_indices = #map}, {transform_indices = #map}, {transform_indices = #map1}, {transform_indices = #map}]} {
    %mul3A = arith.constant 2 : i32
    %mul3A_0 = arith.muli %arg1, %mul3A : i32
    %add3A = arith.addi %mul3A_0, %arg0 : i32
    %mul3A_1 = arith.constant 64 : i32
    %mul3A_2 = arith.muli %add3A, %mul3A_1 : i32
    "tpu.region"() ({
      %run_scoped3A = tpu.sem_alloc : memref<!tpu.dma_semaphore, #tpu.memory_space<semaphore_mem>>
      %dma_start3A_65 = tpu.memref_slice %arg2[%mul3A_2] : memref<2048xi32, #tpu.memory_space<hbm>> -> memref<64xi32, #tpu.memory_space<hbm>>
      %dma_start3A_66 = tpu.memref_slice %arg2[%mul3A_2] : memref<2048xi32, #tpu.memory_space<hbm>> -> memref<64xi32, #tpu.memory_space<hbm>>
      tpu.enqueue_dma source(%dma_start3A_66 : memref<64xi32, #tpu.memory_space<hbm>>) target(%arg10 : memref<64xi32, #tpu.memory_space<vmem>>) target_semaphore(%run_scoped3A : memref<!tpu.dma_semaphore, #tpu.memory_space<semaphore_mem>>)
      %dma_wait3A_67 = tpu.memref_slice %arg2[%mul3A_2] : memref<2048xi32, #tpu.memory_space<hbm>> -> memref<64xi32, #tpu.memory_space<hbm>>
      %dma_wait3A_68 = tpu.memref_slice %arg2[%mul3A_2] : memref<2048xi32, #tpu.memory_space<hbm>> -> memref<64xi32, #tpu.memory_space<hbm>>
      tpu.wait_dma2 semaphore(%run_scoped3A : memref<!tpu.dma_semaphore, #tpu.memory_space<semaphore_mem>>) src(%dma_wait3A_68 : memref<64xi32, #tpu.memory_space<hbm>>) dst(%arg10 : memref<64xi32, #tpu.memory_space<vmem>>)
      tpu.yield
    }) : () -> ()
    "tpu.region"() ({
      %run_scoped3A = tpu.sem_alloc : memref<!tpu.dma_semaphore, #tpu.memory_space<semaphore_mem>>
      %dma_start3A_65 = tpu.memref_slice %arg3[%mul3A_2] : memref<2048xi32, #tpu.memory_space<hbm>> -> memref<64xi32, #tpu.memory_space<hbm>>
      %dma_start3A_66 = tpu.memref_slice %arg3[%mul3A_2] : memref<2048xi32, #tpu.memory_space<hbm>> -> memref<64xi32, #tpu.memory_space<hbm>>
      tpu.enqueue_dma source(%dma_start3A_66 : memref<64xi32, #tpu.memory_space<hbm>>) target(%arg11 : memref<64xi32, #tpu.memory_space<vmem>>) target_semaphore(%run_scoped3A : memref<!tpu.dma_semaphore, #tpu.memory_space<semaphore_mem>>)
      %dma_wait3A_67 = tpu.memref_slice %arg3[%mul3A_2] : memref<2048xi32, #tpu.memory_space<hbm>> -> memref<64xi32, #tpu.memory_space<hbm>>
      %dma_wait3A_68 = tpu.memref_slice %arg3[%mul3A_2] : memref<2048xi32, #tpu.memory_space<hbm>> -> memref<64xi32, #tpu.memory_space<hbm>>
      tpu.wait_dma2 semaphore(%run_scoped3A : memref<!tpu.dma_semaphore, #tpu.memory_space<semaphore_mem>>) src(%dma_wait3A_68 : memref<64xi32, #tpu.memory_space<hbm>>) dst(%arg11 : memref<64xi32, #tpu.memory_space<vmem>>)
      tpu.yield
    }) : () -> ()
    %dma_start3A = arith.constant 0 : i32
    %dma_start3A_3 = arith.constant 0 : i32
    %dma_start3A_4 = tpu.memref_slice %arg4[%dma_start3A, %dma_start3A_3] : memref<100000x128xf32, #tpu.memory_space<hbm>> -> memref<100000x128xf32, #tpu.memory_space<hbm>>
    tpu.enqueue_indirect_dma source(%dma_start3A_4 : memref<100000x128xf32, #tpu.memory_space<hbm>>) target(%arg12 : memref<64x128xf32, #tpu.memory_space<vmem>>) offsets(%arg10 : memref<64xi32, #tpu.memory_space<vmem>>) semaphore(%arg16 : memref<!tpu.dma_semaphore, #tpu.memory_space<semaphore_mem>>)
    %dma_start3A_5 = arith.constant 0 : i32
    %dma_start3A_6 = arith.constant 0 : i32
    %dma_start3A_7 = tpu.memref_slice %arg5[%dma_start3A_5, %dma_start3A_6] : memref<100000x128xf32, #tpu.memory_space<hbm>> -> memref<100000x128xf32, #tpu.memory_space<hbm>>
    tpu.enqueue_indirect_dma source(%dma_start3A_7 : memref<100000x128xf32, #tpu.memory_space<hbm>>) target(%arg13 : memref<64x128xf32, #tpu.memory_space<vmem>>) offsets(%arg11 : memref<64xi32, #tpu.memory_space<vmem>>) semaphore(%arg16 : memref<!tpu.dma_semaphore, #tpu.memory_space<semaphore_mem>>)
    %dma_start3A_8 = arith.constant 0 : i32
    %dma_start3A_9 = tpu.memref_slice %arg6[%dma_start3A_8] : memref<100000xf32, #tpu.memory_space<hbm>> -> memref<100000xf32, #tpu.memory_space<hbm>>
    tpu.enqueue_indirect_dma source(%dma_start3A_9 : memref<100000xf32, #tpu.memory_space<hbm>>) target(%arg14 : memref<64xf32, #tpu.memory_space<vmem>>) offsets(%arg10 : memref<64xi32, #tpu.memory_space<vmem>>) semaphore(%arg16 : memref<!tpu.dma_semaphore, #tpu.memory_space<semaphore_mem>>)
    %dma_start3A_10 = arith.constant 0 : i32
    %dma_start3A_11 = tpu.memref_slice %arg7[%dma_start3A_10] : memref<100000xf32, #tpu.memory_space<hbm>> -> memref<100000xf32, #tpu.memory_space<hbm>>
    tpu.enqueue_indirect_dma source(%dma_start3A_11 : memref<100000xf32, #tpu.memory_space<hbm>>) target(%arg15 : memref<64xf32, #tpu.memory_space<vmem>>) offsets(%arg11 : memref<64xi32, #tpu.memory_space<vmem>>) semaphore(%arg16 : memref<!tpu.dma_semaphore, #tpu.memory_space<semaphore_mem>>)
    %dma_wait3A = arith.constant 0 : i32
    %dma_wait3A_12 = arith.constant 0 : i32
    %dma_wait3A_13 = tpu.memref_slice %arg4[%dma_wait3A, %dma_wait3A_12] : memref<100000x128xf32, #tpu.memory_space<hbm>> -> memref<100000x128xf32, #tpu.memory_space<hbm>>
    tpu.wait_indirect_dma semaphore(%arg16 : memref<!tpu.dma_semaphore, #tpu.memory_space<semaphore_mem>>) src(%dma_wait3A_13 : memref<100000x128xf32, #tpu.memory_space<hbm>>) dst(%arg12 : memref<64x128xf32, #tpu.memory_space<vmem>>)
    %dma_wait3A_14 = arith.constant 0 : i32
    %dma_wait3A_15 = arith.constant 0 : i32
    %dma_wait3A_16 = tpu.memref_slice %arg5[%dma_wait3A_14, %dma_wait3A_15] : memref<100000x128xf32, #tpu.memory_space<hbm>> -> memref<100000x128xf32, #tpu.memory_space<hbm>>
    tpu.wait_indirect_dma semaphore(%arg16 : memref<!tpu.dma_semaphore, #tpu.memory_space<semaphore_mem>>) src(%dma_wait3A_16 : memref<100000x128xf32, #tpu.memory_space<hbm>>) dst(%arg13 : memref<64x128xf32, #tpu.memory_space<vmem>>)
    %dma_wait3A_17 = arith.constant 0 : i32
    %dma_wait3A_18 = tpu.memref_slice %arg6[%dma_wait3A_17] : memref<100000xf32, #tpu.memory_space<hbm>> -> memref<100000xf32, #tpu.memory_space<hbm>>
    tpu.wait_indirect_dma semaphore(%arg16 : memref<!tpu.dma_semaphore, #tpu.memory_space<semaphore_mem>>) src(%dma_wait3A_18 : memref<100000xf32, #tpu.memory_space<hbm>>) dst(%arg14 : memref<64xf32, #tpu.memory_space<vmem>>)
    %dma_wait3A_19 = arith.constant 0 : i32
    %dma_wait3A_20 = tpu.memref_slice %arg7[%dma_wait3A_19] : memref<100000xf32, #tpu.memory_space<hbm>> -> memref<100000xf32, #tpu.memory_space<hbm>>
    tpu.wait_indirect_dma semaphore(%arg16 : memref<!tpu.dma_semaphore, #tpu.memory_space<semaphore_mem>>) src(%dma_wait3A_20 : memref<100000xf32, #tpu.memory_space<hbm>>) dst(%arg15 : memref<64xf32, #tpu.memory_space<vmem>>)
    %parallel_loop3A = arith.constant 0 : i32
    %parallel_loop3A_21 = arith.constant 64 : i32
    %parallel_loop3A_22 = arith.constant 1 : i32
    scf.for %parallel_loop3A_65 = %parallel_loop3A to %parallel_loop3A_21 step %parallel_loop3A_22  : i32 {
      %parallel_loop3A_66 = arith.index_cast %parallel_loop3A_65 : i32 to index
      %parallel_loop3A_67 = arith.constant 0 : index
      %parallel_loop3A_68 = tpu.vector_load %arg12[%parallel_loop3A_66, %parallel_loop3A_67] {strides = array<i32>} : memref<64x128xf32, #tpu.memory_space<vmem>>, vector<1x16xf32>,
      %parallel_loop3A_69 = vector.shape_cast %parallel_loop3A_68 : vector<1x16xf32> to vector<16xf32>
      %parallel_loop3A_70 = arith.index_cast %parallel_loop3A_65 : i32 to index
      %parallel_loop3A_71 = arith.constant 0 : index
      %parallel_loop3A_72 = tpu.vector_load %arg13[%parallel_loop3A_70, %parallel_loop3A_71] {strides = array<i32>} : memref<64x128xf32, #tpu.memory_space<vmem>>, vector<1x16xf32>,
      %parallel_loop3A_73 = vector.shape_cast %parallel_loop3A_72 : vector<1x16xf32> to vector<16xf32>
      %parallel_loop3A_74 = arith.mulf %parallel_loop3A_69, %parallel_loop3A_73 : vector<16xf32>
      %parallel_loop3A_75 = arith.index_cast %parallel_loop3A_65 : i32 to index
      %parallel_loop3A_76 = arith.constant 0 : index
      %parallel_loop3A_77 = tpu.vector_load %arg12[%parallel_loop3A_75, %parallel_loop3A_76] {strides = array<i32>} : memref<64x128xf32, #tpu.memory_space<vmem>>, vector<1x16xf32>,
      %parallel_loop3A_78 = vector.shape_cast %parallel_loop3A_77 : vector<1x16xf32> to vector<16xf32>
      %parallel_loop3A_79 = vector.shape_cast %parallel_loop3A_74 : vector<16xf32> to vector<1x16xf32>
      tpu.vector_store %arg12[%parallel_loop3A_75, %parallel_loop3A_76], %parallel_loop3A_79 {strides = array<i32>} : memref<64x128xf32, #tpu.memory_space<vmem>>, vector<1x16xf32>,
      %parallel_loop3A_80 = arith.index_cast %parallel_loop3A_65 : i32 to index
      %parallel_loop3A_81 = arith.constant 16 : index
      %parallel_loop3A_82 = tpu.vector_load %arg12[%parallel_loop3A_80, %parallel_loop3A_81] {strides = array<i32>} : memref<64x128xf32, #tpu.memory_space<vmem>>, vector<1x16xf32>,
      %parallel_loop3A_83 = vector.shape_cast %parallel_loop3A_82 : vector<1x16xf32> to vector<16xf32>
      %parallel_loop3A_84 = arith.index_cast %parallel_loop3A_65 : i32 to index
      %parallel_loop3A_85 = arith.constant 16 : index
      %parallel_loop3A_86 = tpu.vector_load %arg13[%parallel_loop3A_84, %parallel_loop3A_85] {strides = array<i32>} : memref<64x128xf32, #tpu.memory_space<vmem>>, vector<1x16xf32>,
      %parallel_loop3A_87 = vector.shape_cast %parallel_loop3A_86 : vector<1x16xf32> to vector<16xf32>
      %parallel_loop3A_88 = arith.mulf %parallel_loop3A_83, %parallel_loop3A_87 : vector<16xf32>
      %parallel_loop3A_89 = arith.index_cast %parallel_loop3A_65 : i32 to index
      %parallel_loop3A_90 = arith.constant 16 : index
      %parallel_loop3A_91 = tpu.vector_load %arg12[%parallel_loop3A_89, %parallel_loop3A_90] {strides = array<i32>} : memref<64x128xf32, #tpu.memory_space<vmem>>, vector<1x16xf32>,
      %parallel_loop3A_92 = vector.shape_cast %parallel_loop3A_91 : vector<1x16xf32> to vector<16xf32>
      %parallel_loop3A_93 = vector.shape_cast %parallel_loop3A_88 : vector<16xf32> to vector<1x16xf32>
      tpu.vector_store %arg12[%parallel_loop3A_89, %parallel_loop3A_90], %parallel_loop3A_93 {strides = array<i32>} : memref<64x128xf32, #tpu.memory_space<vmem>>, vector<1x16xf32>,
      %parallel_loop3A_94 = arith.index_cast %parallel_loop3A_65 : i32 to index
      %parallel_loop3A_95 = arith.constant 32 : index
      %parallel_loop3A_96 = tpu.vector_load %arg12[%parallel_loop3A_94, %parallel_loop3A_95] {strides = array<i32>} : memref<64x128xf32, #tpu.memory_space<vmem>>, vector<1x16xf32>,
      %parallel_loop3A_97 = vector.shape_cast %parallel_loop3A_96 : vector<1x16xf32> to vector<16xf32>
      %parallel_loop3A_98 = arith.index_cast %parallel_loop3A_65 : i32 to index
      %parallel_loop3A_99 = arith.constant 32 : index
      %parallel_loop3A_100 = tpu.vector_load %arg13[%parallel_loop3A_98, %parallel_loop3A_99] {strides = array<i32>} : memref<64x128xf32, #tpu.memory_space<vmem>>, vector<1x16xf32>,
      %parallel_loop3A_101 = vector.shape_cast %parallel_loop3A_100 : vector<1x16xf32> to vector<16xf32>
      %parallel_loop3A_102 = arith.mulf %parallel_loop3A_97, %parallel_loop3A_101 : vector<16xf32>
      %parallel_loop3A_103 = arith.index_cast %parallel_loop3A_65 : i32 to index
      %parallel_loop3A_104 = arith.constant 32 : index
      %parallel_loop3A_105 = tpu.vector_load %arg12[%parallel_loop3A_103, %parallel_loop3A_104] {strides = array<i32>} : memref<64x128xf32, #tpu.memory_space<vmem>>, vector<1x16xf32>,
      %parallel_loop3A_106 = vector.shape_cast %parallel_loop3A_105 : vector<1x16xf32> to vector<16xf32>
      %parallel_loop3A_107 = vector.shape_cast %parallel_loop3A_102 : vector<16xf32> to vector<1x16xf32>
      tpu.vector_store %arg12[%parallel_loop3A_103, %parallel_loop3A_104], %parallel_loop3A_107 {strides = array<i32>} : memref<64x128xf32, #tpu.memory_space<vmem>>, vector<1x16xf32>,
      %parallel_loop3A_108 = arith.index_cast %parallel_loop3A_65 : i32 to index
      %parallel_loop3A_109 = arith.constant 48 : index
      %parallel_loop3A_110 = tpu.vector_load %arg12[%parallel_loop3A_108, %parallel_loop3A_109] {strides = array<i32>} : memref<64x128xf32, #tpu.memory_space<vmem>>, vector<1x16xf32>,
      %parallel_loop3A_111 = vector.shape_cast %parallel_loop3A_110 : vector<1x16xf32> to vector<16xf32>
      %parallel_loop3A_112 = arith.index_cast %parallel_loop3A_65 : i32 to index
      %parallel_loop3A_113 = arith.constant 48 : index
      %parallel_loop3A_114 = tpu.vector_load %arg13[%parallel_loop3A_112, %parallel_loop3A_113] {strides = array<i32>} : memref<64x128xf32, #tpu.memory_space<vmem>>, vector<1x16xf32>,
      %parallel_loop3A_115 = vector.shape_cast %parallel_loop3A_114 : vector<1x16xf32> to vector<16xf32>
      %parallel_loop3A_116 = arith.mulf %parallel_loop3A_111, %parallel_loop3A_115 : vector<16xf32>
      %parallel_loop3A_117 = arith.index_cast %parallel_loop3A_65 : i32 to index
      %parallel_loop3A_118 = arith.constant 48 : index
      %parallel_loop3A_119 = tpu.vector_load %arg12[%parallel_loop3A_117, %parallel_loop3A_118] {strides = array<i32>} : memref<64x128xf32, #tpu.memory_space<vmem>>, vector<1x16xf32>,
      %parallel_loop3A_120 = vector.shape_cast %parallel_loop3A_119 : vector<1x16xf32> to vector<16xf32>
      %parallel_loop3A_121 = vector.shape_cast %parallel_loop3A_116 : vector<16xf32> to vector<1x16xf32>
      tpu.vector_store %arg12[%parallel_loop3A_117, %parallel_loop3A_118], %parallel_loop3A_121 {strides = array<i32>} : memref<64x128xf32, #tpu.memory_space<vmem>>, vector<1x16xf32>,
      %parallel_loop3A_122 = arith.index_cast %parallel_loop3A_65 : i32 to index
      %parallel_loop3A_123 = arith.constant 64 : index
      %parallel_loop3A_124 = tpu.vector_load %arg12[%parallel_loop3A_122, %parallel_loop3A_123] {strides = array<i32>} : memref<64x128xf32, #tpu.memory_space<vmem>>, vector<1x16xf32>,
      %parallel_loop3A_125 = vector.shape_cast %parallel_loop3A_124 : vector<1x16xf32> to vector<16xf32>
      %parallel_loop3A_126 = arith.index_cast %parallel_loop3A_65 : i32 to index
      %parallel_loop3A_127 = arith.constant 64 : index
      %parallel_loop3A_128 = tpu.vector_load %arg13[%parallel_loop3A_126, %parallel_loop3A_127] {strides = array<i32>} : memref<64x128xf32, #tpu.memory_space<vmem>>, vector<1x16xf32>,
      %parallel_loop3A_129 = vector.shape_cast %parallel_loop3A_128 : vector<1x16xf32> to vector<16xf32>
      %parallel_loop3A_130 = arith.mulf %parallel_loop3A_125, %parallel_loop3A_129 : vector<16xf32>
      %parallel_loop3A_131 = arith.index_cast %parallel_loop3A_65 : i32 to index
      %parallel_loop3A_132 = arith.constant 64 : index
      %parallel_loop3A_133 = tpu.vector_load %arg12[%parallel_loop3A_131, %parallel_loop3A_132] {strides = array<i32>} : memref<64x128xf32, #tpu.memory_space<vmem>>, vector<1x16xf32>,
      %parallel_loop3A_134 = vector.shape_cast %parallel_loop3A_133 : vector<1x16xf32> to vector<16xf32>
      %parallel_loop3A_135 = vector.shape_cast %parallel_loop3A_130 : vector<16xf32> to vector<1x16xf32>
      tpu.vector_store %arg12[%parallel_loop3A_131, %parallel_loop3A_132], %parallel_loop3A_135 {strides = array<i32>} : memref<64x128xf32, #tpu.memory_space<vmem>>, vector<1x16xf32>,
      %parallel_loop3A_136 = arith.index_cast %parallel_loop3A_65 : i32 to index
      %parallel_loop3A_137 = arith.constant 80 : index
      %parallel_loop3A_138 = tpu.vector_load %arg12[%parallel_loop3A_136, %parallel_loop3A_137] {strides = array<i32>} : memref<64x128xf32, #tpu.memory_space<vmem>>, vector<1x16xf32>,
      %parallel_loop3A_139 = vector.shape_cast %parallel_loop3A_138 : vector<1x16xf32> to vector<16xf32>
      %parallel_loop3A_140 = arith.index_cast %parallel_loop3A_65 : i32 to index
      %parallel_loop3A_141 = arith.constant 80 : index
      %parallel_loop3A_142 = tpu.vector_load %arg13[%parallel_loop3A_140, %parallel_loop3A_141] {strides = array<i32>} : memref<64x128xf32, #tpu.memory_space<vmem>>, vector<1x16xf32>,
      %parallel_loop3A_143 = vector.shape_cast %parallel_loop3A_142 : vector<1x16xf32> to vector<16xf32>
      %parallel_loop3A_144 = arith.mulf %parallel_loop3A_139, %parallel_loop3A_143 : vector<16xf32>
      %parallel_loop3A_145 = arith.index_cast %parallel_loop3A_65 : i32 to index
      %parallel_loop3A_146 = arith.constant 80 : index
      %parallel_loop3A_147 = tpu.vector_load %arg12[%parallel_loop3A_145, %parallel_loop3A_146] {strides = array<i32>} : memref<64x128xf32, #tpu.memory_space<vmem>>, vector<1x16xf32>,
      %parallel_loop3A_148 = vector.shape_cast %parallel_loop3A_147 : vector<1x16xf32> to vector<16xf32>
      %parallel_loop3A_149 = vector.shape_cast %parallel_loop3A_144 : vector<16xf32> to vector<1x16xf32>
      tpu.vector_store %arg12[%parallel_loop3A_145, %parallel_loop3A_146], %parallel_loop3A_149 {strides = array<i32>} : memref<64x128xf32, #tpu.memory_space<vmem>>, vector<1x16xf32>,
      %parallel_loop3A_150 = arith.index_cast %parallel_loop3A_65 : i32 to index
      %parallel_loop3A_151 = arith.constant 96 : index
      %parallel_loop3A_152 = tpu.vector_load %arg12[%parallel_loop3A_150, %parallel_loop3A_151] {strides = array<i32>} : memref<64x128xf32, #tpu.memory_space<vmem>>, vector<1x16xf32>,
      %parallel_loop3A_153 = vector.shape_cast %parallel_loop3A_152 : vector<1x16xf32> to vector<16xf32>
      %parallel_loop3A_154 = arith.index_cast %parallel_loop3A_65 : i32 to index
      %parallel_loop3A_155 = arith.constant 96 : index
      %parallel_loop3A_156 = tpu.vector_load %arg13[%parallel_loop3A_154, %parallel_loop3A_155] {strides = array<i32>} : memref<64x128xf32, #tpu.memory_space<vmem>>, vector<1x16xf32>,
      %parallel_loop3A_157 = vector.shape_cast %parallel_loop3A_156 : vector<1x16xf32> to vector<16xf32>
      %parallel_loop3A_158 = arith.mulf %parallel_loop3A_153, %parallel_loop3A_157 : vector<16xf32>
      %parallel_loop3A_159 = arith.index_cast %parallel_loop3A_65 : i32 to index
      %parallel_loop3A_160 = arith.constant 96 : index
      %parallel_loop3A_161 = tpu.vector_load %arg12[%parallel_loop3A_159, %parallel_loop3A_160] {strides = array<i32>} : memref<64x128xf32, #tpu.memory_space<vmem>>, vector<1x16xf32>,
      %parallel_loop3A_162 = vector.shape_cast %parallel_loop3A_161 : vector<1x16xf32> to vector<16xf32>
      %parallel_loop3A_163 = vector.shape_cast %parallel_loop3A_158 : vector<16xf32> to vector<1x16xf32>
      tpu.vector_store %arg12[%parallel_loop3A_159, %parallel_loop3A_160], %parallel_loop3A_163 {strides = array<i32>} : memref<64x128xf32, #tpu.memory_space<vmem>>, vector<1x16xf32>,
      %parallel_loop3A_164 = arith.index_cast %parallel_loop3A_65 : i32 to index
      %parallel_loop3A_165 = arith.constant 112 : index
      %parallel_loop3A_166 = tpu.vector_load %arg12[%parallel_loop3A_164, %parallel_loop3A_165] {strides = array<i32>} : memref<64x128xf32, #tpu.memory_space<vmem>>, vector<1x16xf32>,
      %parallel_loop3A_167 = vector.shape_cast %parallel_loop3A_166 : vector<1x16xf32> to vector<16xf32>
      %parallel_loop3A_168 = arith.index_cast %parallel_loop3A_65 : i32 to index
      %parallel_loop3A_169 = arith.constant 112 : index
      %parallel_loop3A_170 = tpu.vector_load %arg13[%parallel_loop3A_168, %parallel_loop3A_169] {strides = array<i32>} : memref<64x128xf32, #tpu.memory_space<vmem>>, vector<1x16xf32>,
      %parallel_loop3A_171 = vector.shape_cast %parallel_loop3A_170 : vector<1x16xf32> to vector<16xf32>
      %parallel_loop3A_172 = arith.mulf %parallel_loop3A_167, %parallel_loop3A_171 : vector<16xf32>
      %parallel_loop3A_173 = arith.index_cast %parallel_loop3A_65 : i32 to index
      %parallel_loop3A_174 = arith.constant 112 : index
      %parallel_loop3A_175 = tpu.vector_load %arg12[%parallel_loop3A_173, %parallel_loop3A_174] {strides = array<i32>} : memref<64x128xf32, #tpu.memory_space<vmem>>, vector<1x16xf32>,
      %parallel_loop3A_176 = vector.shape_cast %parallel_loop3A_175 : vector<1x16xf32> to vector<16xf32>
      %parallel_loop3A_177 = vector.shape_cast %parallel_loop3A_172 : vector<16xf32> to vector<1x16xf32>
      tpu.vector_store %arg12[%parallel_loop3A_173, %parallel_loop3A_174], %parallel_loop3A_177 {strides = array<i32>} : memref<64x128xf32, #tpu.memory_space<vmem>>, vector<1x16xf32>,
    } {sc.loop_unroll_factor = 2 : i64, sc.parallel_access}
    %get3A = arith.constant 0 : index
    %get3A_23 = tpu.vector_load %arg14[%get3A] {strides = array<i32>} : memref<64xf32, #tpu.memory_space<vmem>>, vector<16xf32>,
    %get3A_24 = vector.shape_cast %get3A_23 : vector<16xf32> to vector<16xf32>
    %get3A_25 = arith.constant 0 : index
    %get3A_26 = tpu.vector_load %arg15[%get3A_25] {strides = array<i32>} : memref<64xf32, #tpu.memory_space<vmem>>, vector<16xf32>,
    %get3A_27 = vector.shape_cast %get3A_26 : vector<16xf32> to vector<16xf32>
    %add3A_28 = arith.addf %get3A_24, %get3A_27 : vector<16xf32>
    %swap3A = arith.constant 0 : index
    %swap3A_29 = tpu.vector_load %arg14[%swap3A] {strides = array<i32>} : memref<64xf32, #tpu.memory_space<vmem>>, vector<16xf32>,
    %swap3A_30 = vector.shape_cast %swap3A_29 : vector<16xf32> to vector<16xf32>
    %swap3A_31 = vector.shape_cast %add3A_28 : vector<16xf32> to vector<16xf32>
    tpu.vector_store %arg14[%swap3A], %swap3A_31 {strides = array<i32>} : memref<64xf32, #tpu.memory_space<vmem>>, vector<16xf32>,
    %get3A_32 = arith.constant 16 : index
    %get3A_33 = tpu.vector_load %arg14[%get3A_32] {strides = array<i32>} : memref<64xf32, #tpu.memory_space<vmem>>, vector<16xf32>,
    %get3A_34 = vector.shape_cast %get3A_33 : vector<16xf32> to vector<16xf32>
    %get3A_35 = arith.constant 16 : index
    %get3A_36 = tpu.vector_load %arg15[%get3A_35] {strides = array<i32>} : memref<64xf32, #tpu.memory_space<vmem>>, vector<16xf32>,
    %get3A_37 = vector.shape_cast %get3A_36 : vector<16xf32> to vector<16xf32>
    %add3A_38 = arith.addf %get3A_34, %get3A_37 : vector<16xf32>
    %swap3A_39 = arith.constant 16 : index
    %swap3A_40 = tpu.vector_load %arg14[%swap3A_39] {strides = array<i32>} : memref<64xf32, #tpu.memory_space<vmem>>, vector<16xf32>,
    %swap3A_41 = vector.shape_cast %swap3A_40 : vector<16xf32> to vector<16xf32>
    %swap3A_42 = vector.shape_cast %add3A_38 : vector<16xf32> to vector<16xf32>
    tpu.vector_store %arg14[%swap3A_39], %swap3A_42 {strides = array<i32>} : memref<64xf32, #tpu.memory_space<vmem>>, vector<16xf32>,
    %get3A_43 = arith.constant 32 : index
    %get3A_44 = tpu.vector_load %arg14[%get3A_43] {strides = array<i32>} : memref<64xf32, #tpu.memory_space<vmem>>, vector<16xf32>,
    %get3A_45 = vector.shape_cast %get3A_44 : vector<16xf32> to vector<16xf32>
    %get3A_46 = arith.constant 32 : index
    %get3A_47 = tpu.vector_load %arg15[%get3A_46] {strides = array<i32>} : memref<64xf32, #tpu.memory_space<vmem>>, vector<16xf32>,
    %get3A_48 = vector.shape_cast %get3A_47 : vector<16xf32> to vector<16xf32>
    %add3A_49 = arith.addf %get3A_45, %get3A_48 : vector<16xf32>
    %swap3A_50 = arith.constant 32 : index
    %swap3A_51 = tpu.vector_load %arg14[%swap3A_50] {strides = array<i32>} : memref<64xf32, #tpu.memory_space<vmem>>, vector<16xf32>,
    %swap3A_52 = vector.shape_cast %swap3A_51 : vector<16xf32> to vector<16xf32>
    %swap3A_53 = vector.shape_cast %add3A_49 : vector<16xf32> to vector<16xf32>
    tpu.vector_store %arg14[%swap3A_50], %swap3A_53 {strides = array<i32>} : memref<64xf32, #tpu.memory_space<vmem>>, vector<16xf32>,
    %get3A_54 = arith.constant 48 : index
    %get3A_55 = tpu.vector_load %arg14[%get3A_54] {strides = array<i32>} : memref<64xf32, #tpu.memory_space<vmem>>, vector<16xf32>,
    %get3A_56 = vector.shape_cast %get3A_55 : vector<16xf32> to vector<16xf32>
    %get3A_57 = arith.constant 48 : index
    %get3A_58 = tpu.vector_load %arg15[%get3A_57] {strides = array<i32>} : memref<64xf32, #tpu.memory_space<vmem>>, vector<16xf32>,
    %get3A_59 = vector.shape_cast %get3A_58 : vector<16xf32> to vector<16xf32>
    %add3A_60 = arith.addf %get3A_56, %get3A_59 : vector<16xf32>
    %swap3A_61 = arith.constant 48 : index
    %swap3A_62 = tpu.vector_load %arg14[%swap3A_61] {strides = array<i32>} : memref<64xf32, #tpu.memory_space<vmem>>, vector<16xf32>,
    %swap3A_63 = vector.shape_cast %swap3A_62 : vector<16xf32> to vector<16xf32>
    %swap3A_64 = vector.shape_cast %add3A_60 : vector<16xf32> to vector<16xf32>
    tpu.vector_store %arg14[%swap3A_61], %swap3A_64 {strides = array<i32>} : memref<64xf32, #tpu.memory_space<vmem>>, vector<16xf32>,
    "tpu.region"() ({
      %run_scoped3A = tpu.sem_alloc : memref<!tpu.dma_semaphore, #tpu.memory_space<semaphore_mem>>
      %dma_start3A_65 = arith.constant 0 : i32
      %dma_start3A_66 = tpu.memref_slice %arg8[%mul3A_2, %dma_start3A_65] : memref<2048x128xf32, #tpu.memory_space<hbm>> -> memref<64x128xf32, #tpu.memory_space<hbm>>
      %dma_start3A_67 = arith.constant 0 : i32
      %dma_start3A_68 = tpu.memref_slice %arg8[%mul3A_2, %dma_start3A_67] : memref<2048x128xf32, #tpu.memory_space<hbm>> -> memref<64x128xf32, #tpu.memory_space<hbm>>
      tpu.enqueue_dma source(%arg12 : memref<64x128xf32, #tpu.memory_space<vmem>>) target(%dma_start3A_68 : memref<64x128xf32, #tpu.memory_space<hbm>>) target_semaphore(%run_scoped3A : memref<!tpu.dma_semaphore, #tpu.memory_space<semaphore_mem>>)
      %dma_wait3A_69 = arith.constant 0 : i32
      %dma_wait3A_70 = tpu.memref_slice %arg8[%mul3A_2, %dma_wait3A_69] : memref<2048x128xf32, #tpu.memory_space<hbm>> -> memref<64x128xf32, #tpu.memory_space<hbm>>
      %dma_wait3A_71 = arith.constant 0 : i32
      %dma_wait3A_72 = tpu.memref_slice %arg8[%mul3A_2, %dma_wait3A_71] : memref<2048x128xf32, #tpu.memory_space<hbm>> -> memref<64x128xf32, #tpu.memory_space<hbm>>
      tpu.wait_dma2 semaphore(%run_scoped3A : memref<!tpu.dma_semaphore, #tpu.memory_space<semaphore_mem>>) src(%arg12 : memref<64x128xf32, #tpu.memory_space<vmem>>) dst(%dma_wait3A_72 : memref<64x128xf32, #tpu.memory_space<hbm>>)
      tpu.yield
    }) : () -> ()
    "tpu.region"() ({
      %run_scoped3A = tpu.sem_alloc : memref<!tpu.dma_semaphore, #tpu.memory_space<semaphore_mem>>
      %dma_start3A_65 = tpu.memref_slice %arg9[%mul3A_2] : memref<2048xf32, #tpu.memory_space<hbm>> -> memref<64xf32, #tpu.memory_space<hbm>>
      %dma_start3A_66 = tpu.memref_slice %arg9[%mul3A_2] : memref<2048xf32, #tpu.memory_space<hbm>> -> memref<64xf32, #tpu.memory_space<hbm>>
      tpu.enqueue_dma source(%arg14 : memref<64xf32, #tpu.memory_space<vmem>>) target(%dma_start3A_66 : memref<64xf32, #tpu.memory_space<hbm>>) target_semaphore(%run_scoped3A : memref<!tpu.dma_semaphore, #tpu.memory_space<semaphore_mem>>)
      %dma_wait3A_67 = tpu.memref_slice %arg9[%mul3A_2] : memref<2048xf32, #tpu.memory_space<hbm>> -> memref<64xf32, #tpu.memory_space<hbm>>
      %dma_wait3A_68 = tpu.memref_slice %arg9[%mul3A_2] : memref<2048xf32, #tpu.memory_space<hbm>> -> memref<64xf32, #tpu.memory_space<hbm>>
      tpu.wait_dma2 semaphore(%run_scoped3A : memref<!tpu.dma_semaphore, #tpu.memory_space<semaphore_mem>>) src(%arg14 : memref<64xf32, #tpu.memory_space<vmem>>) dst(%dma_wait3A_68 : memref<64xf32, #tpu.memory_space<hbm>>)
      tpu.yield
    }) : () -> ()
    return
  }
}

#map = affine_map<(d0, d1) -> (0)>
#map1 = affine_map<(d0, d1) -> (0, 0)>
module attributes {stable_mosaic.version = 14 : i64} {
  func.func @_sc_gather_body(%arg0: i32, %arg1: i32, %arg2: memref<2048xi32, #tpu.memory_space<hbm>>, %arg3: memref<2048xi32, #tpu.memory_space<hbm>>, %arg4: memref<100000x128xf32, #tpu.memory_space<hbm>>, %arg5: memref<100000x128xf32, #tpu.memory_space<hbm>>, %arg6: memref<100000xf32, #tpu.memory_space<hbm>>, %arg7: memref<100000xf32, #tpu.memory_space<hbm>>, %arg8: memref<2048x128xf32, #tpu.memory_space<hbm>>, %arg9: memref<2048xf32, #tpu.memory_space<hbm>>, %arg10: memref<64xi32, #tpu.memory_space<vmem>>, %arg11: memref<64xi32, #tpu.memory_space<vmem>>, %arg12: memref<64x128xf32, #tpu.memory_space<vmem>>, %arg13: memref<64x128xf32, #tpu.memory_space<vmem>>, %arg14: memref<64xf32, #tpu.memory_space<vmem>>, %arg15: memref<64xf32, #tpu.memory_space<vmem>>, %arg16: memref<!tpu.dma_semaphore, #tpu.memory_space<semaphore_mem>>) attributes {dimension_semantics = [#tpu.dimension_semantics<core_parallel>, #tpu.dimension_semantics<subcore_parallel>], iteration_bounds = array<i64: 2, 16>, scalar_prefetch = 0 : i64, scratch_operands = 7 : i64, tpu.core_type = #tpu.core_type<sc_vector_subcore>, window_params = [{transform_indices = #map}, {transform_indices = #map}, {transform_indices = #map1}, {transform_indices = #map1}, {transform_indices = #map}, {transform_indices = #map}, {transform_indices = #map1}, {transform_indices = #map}]} {
    %mul3A = arith.constant 2 : i32
    %mul3A_0 = arith.muli %arg1, %mul3A : i32
    %add3A = arith.addi %mul3A_0, %arg0 : i32
    %mul3A_1 = arith.constant 64 : i32
    %mul3A_2 = arith.muli %add3A, %mul3A_1 : i32
    "tpu.region"() ({
      %run_scoped3A = tpu.sem_alloc : memref<!tpu.dma_semaphore, #tpu.memory_space<semaphore_mem>>
      %dma_start3A_65 = tpu.memref_slice %arg2[%mul3A_2] : memref<2048xi32, #tpu.memory_space<hbm>> -> memref<64xi32, #tpu.memory_space<hbm>>
      %dma_start3A_66 = tpu.memref_slice %arg2[%mul3A_2] : memref<2048xi32, #tpu.memory_space<hbm>> -> memref<64xi32, #tpu.memory_space<hbm>>
      tpu.enqueue_dma source(%dma_start3A_66 : memref<64xi32, #tpu.memory_space<hbm>>) target(%arg10 : memref<64xi32, #tpu.memory_space<vmem>>) target_semaphore(%run_scoped3A : memref<!tpu.dma_semaphore, #tpu.memory_space<semaphore_mem>>)
      %dma_wait3A_67 = tpu.memref_slice %arg2[%mul3A_2] : memref<2048xi32, #tpu.memory_space<hbm>> -> memref<64xi32, #tpu.memory_space<hbm>>
      %dma_wait3A_68 = tpu.memref_slice %arg2[%mul3A_2] : memref<2048xi32, #tpu.memory_space<hbm>> -> memref<64xi32, #tpu.memory_space<hbm>>
      tpu.wait_dma2 semaphore(%run_scoped3A : memref<!tpu.dma_semaphore, #tpu.memory_space<semaphore_mem>>) src(%dma_wait3A_68 : memref<64xi32, #tpu.memory_space<hbm>>) dst(%arg10 : memref<64xi32, #tpu.memory_space<vmem>>)
      tpu.yield
    }) : () -> ()
    "tpu.region"() ({
      %run_scoped3A = tpu.sem_alloc : memref<!tpu.dma_semaphore, #tpu.memory_space<semaphore_mem>>
      %dma_start3A_65 = tpu.memref_slice %arg3[%mul3A_2] : memref<2048xi32, #tpu.memory_space<hbm>> -> memref<64xi32, #tpu.memory_space<hbm>>
      %dma_start3A_66 = tpu.memref_slice %arg3[%mul3A_2] : memref<2048xi32, #tpu.memory_space<hbm>> -> memref<64xi32, #tpu.memory_space<hbm>>
      tpu.enqueue_dma source(%dma_start3A_66 : memref<64xi32, #tpu.memory_space<hbm>>) target(%arg11 : memref<64xi32, #tpu.memory_space<vmem>>) target_semaphore(%run_scoped3A : memref<!tpu.dma_semaphore, #tpu.memory_space<semaphore_mem>>)
      %dma_wait3A_67 = tpu.memref_slice %arg3[%mul3A_2] : memref<2048xi32, #tpu.memory_space<hbm>> -> memref<64xi32, #tpu.memory_space<hbm>>
      %dma_wait3A_68 = tpu.memref_slice %arg3[%mul3A_2] : memref<2048xi32, #tpu.memory_space<hbm>> -> memref<64xi32, #tpu.memory_space<hbm>>
      tpu.wait_dma2 semaphore(%run_scoped3A : memref<!tpu.dma_semaphore, #tpu.memory_space<semaphore_mem>>) src(%dma_wait3A_68 : memref<64xi32, #tpu.memory_space<hbm>>) dst(%arg11 : memref<64xi32, #tpu.memory_space<vmem>>)
      tpu.yield
    }) : () -> ()
    %dma_start3A = arith.constant 0 : i32
    %dma_start3A_3 = arith.constant 0 : i32
    %dma_start3A_4 = tpu.memref_slice %arg4[%dma_start3A, %dma_start3A_3] : memref<100000x128xf32, #tpu.memory_space<hbm>> -> memref<100000x128xf32, #tpu.memory_space<hbm>>
    tpu.enqueue_indirect_dma source(%dma_start3A_4 : memref<100000x128xf32, #tpu.memory_space<hbm>>) target(%arg12 : memref<64x128xf32, #tpu.memory_space<vmem>>) offsets(%arg10 : memref<64xi32, #tpu.memory_space<vmem>>) semaphore(%arg16 : memref<!tpu.dma_semaphore, #tpu.memory_space<semaphore_mem>>)
    %dma_start3A_5 = arith.constant 0 : i32
    %dma_start3A_6 = arith.constant 0 : i32
    %dma_start3A_7 = tpu.memref_slice %arg5[%dma_start3A_5, %dma_start3A_6] : memref<100000x128xf32, #tpu.memory_space<hbm>> -> memref<100000x128xf32, #tpu.memory_space<hbm>>
    tpu.enqueue_indirect_dma source(%dma_start3A_7 : memref<100000x128xf32, #tpu.memory_space<hbm>>) target(%arg13 : memref<64x128xf32, #tpu.memory_space<vmem>>) offsets(%arg11 : memref<64xi32, #tpu.memory_space<vmem>>) semaphore(%arg16 : memref<!tpu.dma_semaphore, #tpu.memory_space<semaphore_mem>>)
    %dma_start3A_8 = arith.constant 0 : i32
    %dma_start3A_9 = tpu.memref_slice %arg6[%dma_start3A_8] : memref<100000xf32, #tpu.memory_space<hbm>> -> memref<100000xf32, #tpu.memory_space<hbm>>
    tpu.enqueue_indirect_dma source(%dma_start3A_9 : memref<100000xf32, #tpu.memory_space<hbm>>) target(%arg14 : memref<64xf32, #tpu.memory_space<vmem>>) offsets(%arg10 : memref<64xi32, #tpu.memory_space<vmem>>) semaphore(%arg16 : memref<!tpu.dma_semaphore, #tpu.memory_space<semaphore_mem>>)
    %dma_start3A_10 = arith.constant 0 : i32
    %dma_start3A_11 = tpu.memref_slice %arg7[%dma_start3A_10] : memref<100000xf32, #tpu.memory_space<hbm>> -> memref<100000xf32, #tpu.memory_space<hbm>>
    tpu.enqueue_indirect_dma source(%dma_start3A_11 : memref<100000xf32, #tpu.memory_space<hbm>>) target(%arg15 : memref<64xf32, #tpu.memory_space<vmem>>) offsets(%arg11 : memref<64xi32, #tpu.memory_space<vmem>>) semaphore(%arg16 : memref<!tpu.dma_semaphore, #tpu.memory_space<semaphore_mem>>)
    %dma_wait3A = arith.constant 0 : i32
    %dma_wait3A_12 = arith.constant 0 : i32
    %dma_wait3A_13 = tpu.memref_slice %arg4[%dma_wait3A, %dma_wait3A_12] : memref<100000x128xf32, #tpu.memory_space<hbm>> -> memref<100000x128xf32, #tpu.memory_space<hbm>>
    tpu.wait_indirect_dma semaphore(%arg16 : memref<!tpu.dma_semaphore, #tpu.memory_space<semaphore_mem>>) src(%dma_wait3A_13 : memref<100000x128xf32, #tpu.memory_space<hbm>>) dst(%arg12 : memref<64x128xf32, #tpu.memory_space<vmem>>)
    %dma_wait3A_14 = arith.constant 0 : i32
    %dma_wait3A_15 = arith.constant 0 : i32
    %dma_wait3A_16 = tpu.memref_slice %arg5[%dma_wait3A_14, %dma_wait3A_15] : memref<100000x128xf32, #tpu.memory_space<hbm>> -> memref<100000x128xf32, #tpu.memory_space<hbm>>
    tpu.wait_indirect_dma semaphore(%arg16 : memref<!tpu.dma_semaphore, #tpu.memory_space<semaphore_mem>>) src(%dma_wait3A_16 : memref<100000x128xf32, #tpu.memory_space<hbm>>) dst(%arg13 : memref<64x128xf32, #tpu.memory_space<vmem>>)
    %dma_wait3A_17 = arith.constant 0 : i32
    %dma_wait3A_18 = tpu.memref_slice %arg6[%dma_wait3A_17] : memref<100000xf32, #tpu.memory_space<hbm>> -> memref<100000xf32, #tpu.memory_space<hbm>>
    tpu.wait_indirect_dma semaphore(%arg16 : memref<!tpu.dma_semaphore, #tpu.memory_space<semaphore_mem>>) src(%dma_wait3A_18 : memref<100000xf32, #tpu.memory_space<hbm>>) dst(%arg14 : memref<64xf32, #tpu.memory_space<vmem>>)
    %dma_wait3A_19 = arith.constant 0 : i32
    %dma_wait3A_20 = tpu.memref_slice %arg7[%dma_wait3A_19] : memref<100000xf32, #tpu.memory_space<hbm>> -> memref<100000xf32, #tpu.memory_space<hbm>>
    tpu.wait_indirect_dma semaphore(%arg16 : memref<!tpu.dma_semaphore, #tpu.memory_space<semaphore_mem>>) src(%dma_wait3A_20 : memref<100000xf32, #tpu.memory_space<hbm>>) dst(%arg15 : memref<64xf32, #tpu.memory_space<vmem>>)
    %parallel_loop3A = arith.constant 0 : i32
    %parallel_loop3A_21 = arith.constant 64 : i32
    %parallel_loop3A_22 = arith.constant 1 : i32
    scf.for %parallel_loop3A_65 = %parallel_loop3A to %parallel_loop3A_21 step %parallel_loop3A_22  : i32 {
      %parallel_loop3A_66 = arith.index_cast %parallel_loop3A_65 : i32 to index
      %parallel_loop3A_67 = arith.constant 0 : index
      %parallel_loop3A_68 = tpu.vector_load %arg12[%parallel_loop3A_66, %parallel_loop3A_67] {strides = array<i32>} : memref<64x128xf32, #tpu.memory_space<vmem>>, vector<1x16xf32>,
      %parallel_loop3A_69 = vector.shape_cast %parallel_loop3A_68 : vector<1x16xf32> to vector<16xf32>
      %parallel_loop3A_70 = arith.index_cast %parallel_loop3A_65 : i32 to index
      %parallel_loop3A_71 = arith.constant 0 : index
      %parallel_loop3A_72 = tpu.vector_load %arg13[%parallel_loop3A_70, %parallel_loop3A_71] {strides = array<i32>} : memref<64x128xf32, #tpu.memory_space<vmem>>, vector<1x16xf32>,
      %parallel_loop3A_73 = vector.shape_cast %parallel_loop3A_72 : vector<1x16xf32> to vector<16xf32>
      %parallel_loop3A_74 = arith.mulf %parallel_loop3A_69, %parallel_loop3A_73 : vector<16xf32>
      %parallel_loop3A_75 = arith.index_cast %parallel_loop3A_65 : i32 to index
      %parallel_loop3A_76 = arith.constant 0 : index
      %parallel_loop3A_77 = tpu.vector_load %arg12[%parallel_loop3A_75, %parallel_loop3A_76] {strides = array<i32>} : memref<64x128xf32, #tpu.memory_space<vmem>>, vector<1x16xf32>,
      %parallel_loop3A_78 = vector.shape_cast %parallel_loop3A_77 : vector<1x16xf32> to vector<16xf32>
      %parallel_loop3A_79 = vector.shape_cast %parallel_loop3A_74 : vector<16xf32> to vector<1x16xf32>
      tpu.vector_store %arg12[%parallel_loop3A_75, %parallel_loop3A_76], %parallel_loop3A_79 {strides = array<i32>} : memref<64x128xf32, #tpu.memory_space<vmem>>, vector<1x16xf32>,
      %parallel_loop3A_80 = arith.index_cast %parallel_loop3A_65 : i32 to index
      %parallel_loop3A_81 = arith.constant 16 : index
      %parallel_loop3A_82 = tpu.vector_load %arg12[%parallel_loop3A_80, %parallel_loop3A_81] {strides = array<i32>} : memref<64x128xf32, #tpu.memory_space<vmem>>, vector<1x16xf32>,
      %parallel_loop3A_83 = vector.shape_cast %parallel_loop3A_82 : vector<1x16xf32> to vector<16xf32>
      %parallel_loop3A_84 = arith.index_cast %parallel_loop3A_65 : i32 to index
      %parallel_loop3A_85 = arith.constant 16 : index
      %parallel_loop3A_86 = tpu.vector_load %arg13[%parallel_loop3A_84, %parallel_loop3A_85] {strides = array<i32>} : memref<64x128xf32, #tpu.memory_space<vmem>>, vector<1x16xf32>,
      %parallel_loop3A_87 = vector.shape_cast %parallel_loop3A_86 : vector<1x16xf32> to vector<16xf32>
      %parallel_loop3A_88 = arith.mulf %parallel_loop3A_83, %parallel_loop3A_87 : vector<16xf32>
      %parallel_loop3A_89 = arith.index_cast %parallel_loop3A_65 : i32 to index
      %parallel_loop3A_90 = arith.constant 16 : index
      %parallel_loop3A_91 = tpu.vector_load %arg12[%parallel_loop3A_89, %parallel_loop3A_90] {strides = array<i32>} : memref<64x128xf32, #tpu.memory_space<vmem>>, vector<1x16xf32>,
      %parallel_loop3A_92 = vector.shape_cast %parallel_loop3A_91 : vector<1x16xf32> to vector<16xf32>
      %parallel_loop3A_93 = vector.shape_cast %parallel_loop3A_88 : vector<16xf32> to vector<1x16xf32>
      tpu.vector_store %arg12[%parallel_loop3A_89, %parallel_loop3A_90], %parallel_loop3A_93 {strides = array<i32>} : memref<64x128xf32, #tpu.memory_space<vmem>>, vector<1x16xf32>,
      %parallel_loop3A_94 = arith.index_cast %parallel_loop3A_65 : i32 to index
      %parallel_loop3A_95 = arith.constant 32 : index
      %parallel_loop3A_96 = tpu.vector_load %arg12[%parallel_loop3A_94, %parallel_loop3A_95] {strides = array<i32>} : memref<64x128xf32, #tpu.memory_space<vmem>>, vector<1x16xf32>,
      %parallel_loop3A_97 = vector.shape_cast %parallel_loop3A_96 : vector<1x16xf32> to vector<16xf32>
      %parallel_loop3A_98 = arith.index_cast %parallel_loop3A_65 : i32 to index
      %parallel_loop3A_99 = arith.constant 32 : index
      %parallel_loop3A_100 = tpu.vector_load %arg13[%parallel_loop3A_98, %parallel_loop3A_99] {strides = array<i32>} : memref<64x128xf32, #tpu.memory_space<vmem>>, vector<1x16xf32>,
      %parallel_loop3A_101 = vector.shape_cast %parallel_loop3A_100 : vector<1x16xf32> to vector<16xf32>
      %parallel_loop3A_102 = arith.mulf %parallel_loop3A_97, %parallel_loop3A_101 : vector<16xf32>
      %parallel_loop3A_103 = arith.index_cast %parallel_loop3A_65 : i32 to index
      %parallel_loop3A_104 = arith.constant 32 : index
      %parallel_loop3A_105 = tpu.vector_load %arg12[%parallel_loop3A_103, %parallel_loop3A_104] {strides = array<i32>} : memref<64x128xf32, #tpu.memory_space<vmem>>, vector<1x16xf32>,
      %parallel_loop3A_106 = vector.shape_cast %parallel_loop3A_105 : vector<1x16xf32> to vector<16xf32>
      %parallel_loop3A_107 = vector.shape_cast %parallel_loop3A_102 : vector<16xf32> to vector<1x16xf32>
      tpu.vector_store %arg12[%parallel_loop3A_103, %parallel_loop3A_104], %parallel_loop3A_107 {strides = array<i32>} : memref<64x128xf32, #tpu.memory_space<vmem>>, vector<1x16xf32>,
      %parallel_loop3A_108 = arith.index_cast %parallel_loop3A_65 : i32 to index
      %parallel_loop3A_109 = arith.constant 48 : index
      %parallel_loop3A_110 = tpu.vector_load %arg12[%parallel_loop3A_108, %parallel_loop3A_109] {strides = array<i32>} : memref<64x128xf32, #tpu.memory_space<vmem>>, vector<1x16xf32>,
      %parallel_loop3A_111 = vector.shape_cast %parallel_loop3A_110 : vector<1x16xf32> to vector<16xf32>
      %parallel_loop3A_112 = arith.index_cast %parallel_loop3A_65 : i32 to index
      %parallel_loop3A_113 = arith.constant 48 : index
      %parallel_loop3A_114 = tpu.vector_load %arg13[%parallel_loop3A_112, %parallel_loop3A_113] {strides = array<i32>} : memref<64x128xf32, #tpu.memory_space<vmem>>, vector<1x16xf32>,
      %parallel_loop3A_115 = vector.shape_cast %parallel_loop3A_114 : vector<1x16xf32> to vector<16xf32>
      %parallel_loop3A_116 = arith.mulf %parallel_loop3A_111, %parallel_loop3A_115 : vector<16xf32>
      %parallel_loop3A_117 = arith.index_cast %parallel_loop3A_65 : i32 to index
      %parallel_loop3A_118 = arith.constant 48 : index
      %parallel_loop3A_119 = tpu.vector_load %arg12[%parallel_loop3A_117, %parallel_loop3A_118] {strides = array<i32>} : memref<64x128xf32, #tpu.memory_space<vmem>>, vector<1x16xf32>,
      %parallel_loop3A_120 = vector.shape_cast %parallel_loop3A_119 : vector<1x16xf32> to vector<16xf32>
      %parallel_loop3A_121 = vector.shape_cast %parallel_loop3A_116 : vector<16xf32> to vector<1x16xf32>
      tpu.vector_store %arg12[%parallel_loop3A_117, %parallel_loop3A_118], %parallel_loop3A_121 {strides = array<i32>} : memref<64x128xf32, #tpu.memory_space<vmem>>, vector<1x16xf32>,
      %parallel_loop3A_122 = arith.index_cast %parallel_loop3A_65 : i32 to index
      %parallel_loop3A_123 = arith.constant 64 : index
      %parallel_loop3A_124 = tpu.vector_load %arg12[%parallel_loop3A_122, %parallel_loop3A_123] {strides = array<i32>} : memref<64x128xf32, #tpu.memory_space<vmem>>, vector<1x16xf32>,
      %parallel_loop3A_125 = vector.shape_cast %parallel_loop3A_124 : vector<1x16xf32> to vector<16xf32>
      %parallel_loop3A_126 = arith.index_cast %parallel_loop3A_65 : i32 to index
      %parallel_loop3A_127 = arith.constant 64 : index
      %parallel_loop3A_128 = tpu.vector_load %arg13[%parallel_loop3A_126, %parallel_loop3A_127] {strides = array<i32>} : memref<64x128xf32, #tpu.memory_space<vmem>>, vector<1x16xf32>,
      %parallel_loop3A_129 = vector.shape_cast %parallel_loop3A_128 : vector<1x16xf32> to vector<16xf32>
      %parallel_loop3A_130 = arith.mulf %parallel_loop3A_125, %parallel_loop3A_129 : vector<16xf32>
      %parallel_loop3A_131 = arith.index_cast %parallel_loop3A_65 : i32 to index
      %parallel_loop3A_132 = arith.constant 64 : index
      %parallel_loop3A_133 = tpu.vector_load %arg12[%parallel_loop3A_131, %parallel_loop3A_132] {strides = array<i32>} : memref<64x128xf32, #tpu.memory_space<vmem>>, vector<1x16xf32>,
      %parallel_loop3A_134 = vector.shape_cast %parallel_loop3A_133 : vector<1x16xf32> to vector<16xf32>
      %parallel_loop3A_135 = vector.shape_cast %parallel_loop3A_130 : vector<16xf32> to vector<1x16xf32>
      tpu.vector_store %arg12[%parallel_loop3A_131, %parallel_loop3A_132], %parallel_loop3A_135 {strides = array<i32>} : memref<64x128xf32, #tpu.memory_space<vmem>>, vector<1x16xf32>,
      %parallel_loop3A_136 = arith.index_cast %parallel_loop3A_65 : i32 to index
      %parallel_loop3A_137 = arith.constant 80 : index
      %parallel_loop3A_138 = tpu.vector_load %arg12[%parallel_loop3A_136, %parallel_loop3A_137] {strides = array<i32>} : memref<64x128xf32, #tpu.memory_space<vmem>>, vector<1x16xf32>,
      %parallel_loop3A_139 = vector.shape_cast %parallel_loop3A_138 : vector<1x16xf32> to vector<16xf32>
      %parallel_loop3A_140 = arith.index_cast %parallel_loop3A_65 : i32 to index
      %parallel_loop3A_141 = arith.constant 80 : index
      %parallel_loop3A_142 = tpu.vector_load %arg13[%parallel_loop3A_140, %parallel_loop3A_141] {strides = array<i32>} : memref<64x128xf32, #tpu.memory_space<vmem>>, vector<1x16xf32>,
      %parallel_loop3A_143 = vector.shape_cast %parallel_loop3A_142 : vector<1x16xf32> to vector<16xf32>
      %parallel_loop3A_144 = arith.mulf %parallel_loop3A_139, %parallel_loop3A_143 : vector<16xf32>
      %parallel_loop3A_145 = arith.index_cast %parallel_loop3A_65 : i32 to index
      %parallel_loop3A_146 = arith.constant 80 : index
      %parallel_loop3A_147 = tpu.vector_load %arg12[%parallel_loop3A_145, %parallel_loop3A_146] {strides = array<i32>} : memref<64x128xf32, #tpu.memory_space<vmem>>, vector<1x16xf32>,
      %parallel_loop3A_148 = vector.shape_cast %parallel_loop3A_147 : vector<1x16xf32> to vector<16xf32>
      %parallel_loop3A_149 = vector.shape_cast %parallel_loop3A_144 : vector<16xf32> to vector<1x16xf32>
      tpu.vector_store %arg12[%parallel_loop3A_145, %parallel_loop3A_146], %parallel_loop3A_149 {strides = array<i32>} : memref<64x128xf32, #tpu.memory_space<vmem>>, vector<1x16xf32>,
      %parallel_loop3A_150 = arith.index_cast %parallel_loop3A_65 : i32 to index
      %parallel_loop3A_151 = arith.constant 96 : index
      %parallel_loop3A_152 = tpu.vector_load %arg12[%parallel_loop3A_150, %parallel_loop3A_151] {strides = array<i32>} : memref<64x128xf32, #tpu.memory_space<vmem>>, vector<1x16xf32>,
      %parallel_loop3A_153 = vector.shape_cast %parallel_loop3A_152 : vector<1x16xf32> to vector<16xf32>
      %parallel_loop3A_154 = arith.index_cast %parallel_loop3A_65 : i32 to index
      %parallel_loop3A_155 = arith.constant 96 : index
      %parallel_loop3A_156 = tpu.vector_load %arg13[%parallel_loop3A_154, %parallel_loop3A_155] {strides = array<i32>} : memref<64x128xf32, #tpu.memory_space<vmem>>, vector<1x16xf32>,
      %parallel_loop3A_157 = vector.shape_cast %parallel_loop3A_156 : vector<1x16xf32> to vector<16xf32>
      %parallel_loop3A_158 = arith.mulf %parallel_loop3A_153, %parallel_loop3A_157 : vector<16xf32>
      %parallel_loop3A_159 = arith.index_cast %parallel_loop3A_65 : i32 to index
      %parallel_loop3A_160 = arith.constant 96 : index
      %parallel_loop3A_161 = tpu.vector_load %arg12[%parallel_loop3A_159, %parallel_loop3A_160] {strides = array<i32>} : memref<64x128xf32, #tpu.memory_space<vmem>>, vector<1x16xf32>,
      %parallel_loop3A_162 = vector.shape_cast %parallel_loop3A_161 : vector<1x16xf32> to vector<16xf32>
      %parallel_loop3A_163 = vector.shape_cast %parallel_loop3A_158 : vector<16xf32> to vector<1x16xf32>
      tpu.vector_store %arg12[%parallel_loop3A_159, %parallel_loop3A_160], %parallel_loop3A_163 {strides = array<i32>} : memref<64x128xf32, #tpu.memory_space<vmem>>, vector<1x16xf32>,
      %parallel_loop3A_164 = arith.index_cast %parallel_loop3A_65 : i32 to index
      %parallel_loop3A_165 = arith.constant 112 : index
      %parallel_loop3A_166 = tpu.vector_load %arg12[%parallel_loop3A_164, %parallel_loop3A_165] {strides = array<i32>} : memref<64x128xf32, #tpu.memory_space<vmem>>, vector<1x16xf32>,
      %parallel_loop3A_167 = vector.shape_cast %parallel_loop3A_166 : vector<1x16xf32> to vector<16xf32>
      %parallel_loop3A_168 = arith.index_cast %parallel_loop3A_65 : i32 to index
      %parallel_loop3A_169 = arith.constant 112 : index
      %parallel_loop3A_170 = tpu.vector_load %arg13[%parallel_loop3A_168, %parallel_loop3A_169] {strides = array<i32>} : memref<64x128xf32, #tpu.memory_space<vmem>>, vector<1x16xf32>,
      %parallel_loop3A_171 = vector.shape_cast %parallel_loop3A_170 : vector<1x16xf32> to vector<16xf32>
      %parallel_loop3A_172 = arith.mulf %parallel_loop3A_167, %parallel_loop3A_171 : vector<16xf32>
      %parallel_loop3A_173 = arith.index_cast %parallel_loop3A_65 : i32 to index
      %parallel_loop3A_174 = arith.constant 112 : index
      %parallel_loop3A_175 = tpu.vector_load %arg12[%parallel_loop3A_173, %parallel_loop3A_174] {strides = array<i32>} : memref<64x128xf32, #tpu.memory_space<vmem>>, vector<1x16xf32>,
      %parallel_loop3A_176 = vector.shape_cast %parallel_loop3A_175 : vector<1x16xf32> to vector<16xf32>
      %parallel_loop3A_177 = vector.shape_cast %parallel_loop3A_172 : vector<16xf32> to vector<1x16xf32>
      tpu.vector_store %arg12[%parallel_loop3A_173, %parallel_loop3A_174], %parallel_loop3A_177 {strides = array<i32>} : memref<64x128xf32, #tpu.memory_space<vmem>>, vector<1x16xf32>,
    } {sc.loop_unroll_factor = 2 : i64, sc.parallel_access}
    %get3A = arith.constant 0 : index
    %get3A_23 = tpu.vector_load %arg14[%get3A] {strides = array<i32>} : memref<64xf32, #tpu.memory_space<vmem>>, vector<16xf32>,
    %get3A_24 = vector.shape_cast %get3A_23 : vector<16xf32> to vector<16xf32>
    %get3A_25 = arith.constant 0 : index
    %get3A_26 = tpu.vector_load %arg15[%get3A_25] {strides = array<i32>} : memref<64xf32, #tpu.memory_space<vmem>>, vector<16xf32>,
    %get3A_27 = vector.shape_cast %get3A_26 : vector<16xf32> to vector<16xf32>
    %add3A_28 = arith.addf %get3A_24, %get3A_27 : vector<16xf32>
    %swap3A = arith.constant 0 : index
    %swap3A_29 = tpu.vector_load %arg14[%swap3A] {strides = array<i32>} : memref<64xf32, #tpu.memory_space<vmem>>, vector<16xf32>,
    %swap3A_30 = vector.shape_cast %swap3A_29 : vector<16xf32> to vector<16xf32>
    %swap3A_31 = vector.shape_cast %add3A_28 : vector<16xf32> to vector<16xf32>
    tpu.vector_store %arg14[%swap3A], %swap3A_31 {strides = array<i32>} : memref<64xf32, #tpu.memory_space<vmem>>, vector<16xf32>,
    %get3A_32 = arith.constant 16 : index
    %get3A_33 = tpu.vector_load %arg14[%get3A_32] {strides = array<i32>} : memref<64xf32, #tpu.memory_space<vmem>>, vector<16xf32>,
    %get3A_34 = vector.shape_cast %get3A_33 : vector<16xf32> to vector<16xf32>
    %get3A_35 = arith.constant 16 : index
    %get3A_36 = tpu.vector_load %arg15[%get3A_35] {strides = array<i32>} : memref<64xf32, #tpu.memory_space<vmem>>, vector<16xf32>,
    %get3A_37 = vector.shape_cast %get3A_36 : vector<16xf32> to vector<16xf32>
    %add3A_38 = arith.addf %get3A_34, %get3A_37 : vector<16xf32>
    %swap3A_39 = arith.constant 16 : index
    %swap3A_40 = tpu.vector_load %arg14[%swap3A_39] {strides = array<i32>} : memref<64xf32, #tpu.memory_space<vmem>>, vector<16xf32>,
    %swap3A_41 = vector.shape_cast %swap3A_40 : vector<16xf32> to vector<16xf32>
    %swap3A_42 = vector.shape_cast %add3A_38 : vector<16xf32> to vector<16xf32>
    tpu.vector_store %arg14[%swap3A_39], %swap3A_42 {strides = array<i32>} : memref<64xf32, #tpu.memory_space<vmem>>, vector<16xf32>,
    %get3A_43 = arith.constant 32 : index
    %get3A_44 = tpu.vector_load %arg14[%get3A_43] {strides = array<i32>} : memref<64xf32, #tpu.memory_space<vmem>>, vector<16xf32>,
    %get3A_45 = vector.shape_cast %get3A_44 : vector<16xf32> to vector<16xf32>
    %get3A_46 = arith.constant 32 : index
    %get3A_47 = tpu.vector_load %arg15[%get3A_46] {strides = array<i32>} : memref<64xf32, #tpu.memory_space<vmem>>, vector<16xf32>,
    %get3A_48 = vector.shape_cast %get3A_47 : vector<16xf32> to vector<16xf32>
    %add3A_49 = arith.addf %get3A_45, %get3A_48 : vector<16xf32>
    %swap3A_50 = arith.constant 32 : index
    %swap3A_51 = tpu.vector_load %arg14[%swap3A_50] {strides = array<i32>} : memref<64xf32, #tpu.memory_space<vmem>>, vector<16xf32>,
    %swap3A_52 = vector.shape_cast %swap3A_51 : vector<16xf32> to vector<16xf32>
    %swap3A_53 = vector.shape_cast %add3A_49 : vector<16xf32> to vector<16xf32>
    tpu.vector_store %arg14[%swap3A_50], %swap3A_53 {strides = array<i32>} : memref<64xf32, #tpu.memory_space<vmem>>, vector<16xf32>,
    %get3A_54 = arith.constant 48 : index
    %get3A_55 = tpu.vector_load %arg14[%get3A_54] {strides = array<i32>} : memref<64xf32, #tpu.memory_space<vmem>>, vector<16xf32>,
    %get3A_56 = vector.shape_cast %get3A_55 : vector<16xf32> to vector<16xf32>
    %get3A_57 = arith.constant 48 : index
    %get3A_58 = tpu.vector_load %arg15[%get3A_57] {strides = array<i32>} : memref<64xf32, #tpu.memory_space<vmem>>, vector<16xf32>,
    %get3A_59 = vector.shape_cast %get3A_58 : vector<16xf32> to vector<16xf32>
    %add3A_60 = arith.addf %get3A_56, %get3A_59 : vector<16xf32>
    %swap3A_61 = arith.constant 48 : index
    %swap3A_62 = tpu.vector_load %arg14[%swap3A_61] {strides = array<i32>} : memref<64xf32, #tpu.memory_space<vmem>>, vector<16xf32>,
    %swap3A_63 = vector.shape_cast %swap3A_62 : vector<16xf32> to vector<16xf32>
    %swap3A_64 = vector.shape_cast %add3A_60 : vector<16xf32> to vector<16xf32>
    tpu.vector_store %arg14[%swap3A_61], %swap3A_64 {strides = array<i32>} : memref<64xf32, #tpu.memory_space<vmem>>, vector<16xf32>,
    "tpu.region"() ({
      %run_scoped3A = tpu.sem_alloc : memref<!tpu.dma_semaphore, #tpu.memory_space<semaphore_mem>>
      %dma_start3A_65 = arith.constant 0 : i32
      %dma_start3A_66 = tpu.memref_slice %arg8[%mul3A_2, %dma_start3A_65] : memref<2048x128xf32, #tpu.memory_space<hbm>> -> memref<64x128xf32, #tpu.memory_space<hbm>>
      %dma_start3A_67 = arith.constant 0 : i32
      %dma_start3A_68 = tpu.memref_slice %arg8[%mul3A_2, %dma_start3A_67] : memref<2048x128xf32, #tpu.memory_space<hbm>> -> memref<64x128xf32, #tpu.memory_space<hbm>>
      tpu.enqueue_dma source(%arg12 : memref<64x128xf32, #tpu.memory_space<vmem>>) target(%dma_start3A_68 : memref<64x128xf32, #tpu.memory_space<hbm>>) target_semaphore(%run_scoped3A : memref<!tpu.dma_semaphore, #tpu.memory_space<semaphore_mem>>)
      %dma_wait3A_69 = arith.constant 0 : i32
      %dma_wait3A_70 = tpu.memref_slice %arg8[%mul3A_2, %dma_wait3A_69] : memref<2048x128xf32, #tpu.memory_space<hbm>> -> memref<64x128xf32, #tpu.memory_space<hbm>>
      %dma_wait3A_71 = arith.constant 0 : i32
      %dma_wait3A_72 = tpu.memref_slice %arg8[%mul3A_2, %dma_wait3A_71] : memref<2048x128xf32, #tpu.memory_space<hbm>> -> memref<64x128xf32, #tpu.memory_space<hbm>>
      tpu.wait_dma2 semaphore(%run_scoped3A : memref<!tpu.dma_semaphore, #tpu.memory_space<semaphore_mem>>) src(%arg12 : memref<64x128xf32, #tpu.memory_space<vmem>>) dst(%dma_wait3A_72 : memref<64x128xf32, #tpu.memory_space<hbm>>)
      tpu.yield
    }) : () -> ()
    "tpu.region"() ({
      %run_scoped3A = tpu.sem_alloc : memref<!tpu.dma_semaphore, #tpu.memory_space<semaphore_mem>>
      %dma_start3A_65 = tpu.memref_slice %arg9[%mul3A_2] : memref<2048xf32, #tpu.memory_space<hbm>> -> memref<64xf32, #tpu.memory_space<hbm>>
      %dma_start3A_66 = tpu.memref_slice %arg9[%mul3A_2] : memref<2048xf32, #tpu.memory_space<hbm>> -> memref<64xf32, #tpu.memory_space<hbm>>
      tpu.enqueue_dma source(%arg14 : memref<64xf32, #tpu.memory_space<vmem>>) target(%dma_start3A_66 : memref<64xf32, #tpu.memory_space<hbm>>) target_semaphore(%run_scoped3A : memref<!tpu.dma_semaphore, #tpu.memory_space<semaphore_mem>>)
      %dma_wait3A_67 = tpu.memref_slice %arg9[%mul3A_2] : memref<2048xf32, #tpu.memory_space<hbm>> -> memref<64xf32, #tpu.memory_space<hbm>>
      %dma_wait3A_68 = tpu.memref_slice %arg9[%mul3A_2] : memref<2048xf32, #tpu.memory_space<hbm>> -> memref<64xf32, #tpu.memory_space<hbm>>
      tpu.wait_dma2 semaphore(%run_scoped3A : memref<!tpu.dma_semaphore, #tpu.memory_space<semaphore_mem>>) src(%arg14 : memref<64xf32, #tpu.memory_space<vmem>>) dst(%dma_wait3A_68 : memref<64xf32, #tpu.memory_space<hbm>>)
      tpu.yield
    }) : () -> ()
    return
  }
}

module attributes {stable_mosaic.version = 14 : i64} {
  func.func @_tc_body(%arg0: memref<2048x128xf32, #tpu.memory_space<vmem>>, %arg1: memref<1x2048xf32, #tpu.memory_space<vmem>>, %arg2: memref<1x1xf32, #tpu.memory_space<vmem>>, %arg3: memref<128x128xf32, #tpu.memory_space<vmem>>, %arg4: memref<1x128xf32, #tpu.memory_space<vmem>>, %arg5: memref<128x64xf32, #tpu.memory_space<vmem>>, %arg6: memref<1x64xf32, #tpu.memory_space<vmem>>, %arg7: memref<64x1xf32, #tpu.memory_space<vmem>>, %arg8: memref<1x1xf32, #tpu.memory_space<vmem>>, %arg9: memref<1x2048xf32, #tpu.memory_space<vmem>>) attributes {dimension_semantics = [], scalar_prefetch = 0 : i64, scratch_operands = 0 : i64, tpu.core_type = #tpu.core_type<tc>} {
    %get3A = arith.constant 0 : index
    %get3A_0 = arith.constant 0 : index
    %get3A_1 = vector.load %arg0[%get3A, %get3A_0] : memref<2048x128xf32, #tpu.memory_space<vmem>>, vector<2048x128xf32>
    %reduce_sum3A = arith.constant dense<0.000000e+00> : vector<2048xf32>
    %reduce_sum3A_2 = vector.multi_reduction <add>, %get3A_1, %reduce_sum3A [1] : vector<2048x128xf32> to vector<2048xf32>
    %broadcast_in_dim3A = vector.shape_cast %reduce_sum3A_2 : vector<2048xf32> to vector<2048x1xf32>
    %get3A_3 = arith.constant 0 : index
    %get3A_4 = arith.constant 0 : index
    %get3A_5 = vector.load %arg1[%get3A_3, %get3A_4] : memref<1x2048xf32, #tpu.memory_space<vmem>>, vector<1x2048xf32>
    %reshape3A = vector.shape_cast %get3A_5 : vector<1x2048xf32> to vector<2048x1xf32>
    %add3A = arith.addf %broadcast_in_dim3A, %reshape3A : vector<2048x1xf32>
    %get3A_6 = arith.constant 0 : index
    %get3A_7 = arith.constant 0 : index
    %get3A_8 = vector.load %arg2[%get3A_6, %get3A_7] : memref<1x1xf32, #tpu.memory_space<vmem>>, vector<1x1xf32>
    %get3A_9 = vector.extract %get3A_8[0, 0] : f32 from vector<1x1xf32>
    %add3A_10 = vector.broadcast %get3A_9 : f32 to vector<2048x1xf32>
    %add3A_11 = arith.addf %add3A, %add3A_10 : vector<2048x1xf32>
    %get3A_12 = arith.constant 0 : index
    %get3A_13 = arith.constant 0 : index
    %get3A_14 = vector.load %arg3[%get3A_12, %get3A_13] : memref<128x128xf32, #tpu.memory_space<vmem>>, vector<128x128xf32>
    %dot_general3A = arith.constant dense<0.000000e+00> : vector<2048x128xf32>
    %dot_general3A_15 = tpu.matmul %get3A_1, %get3A_14, %dot_general3A {dimension_numbers = #tpu.dot_dimension_numbers<[1], [0], [0], [1], [0, 0, 1, 1], [], []>, transpose_lhs_hint = false} : vector<2048x128xf32>, vector<128x128xf32>, vector<2048x128xf32> -> vector<2048x128xf32>
    %get3A_16 = arith.constant 0 : index
    %get3A_17 = arith.constant 0 : index
    %get3A_18 = vector.load %arg4[%get3A_16, %get3A_17] : memref<1x128xf32, #tpu.memory_space<vmem>>, vector<1x128xf32>
    %add3A_19 = vector.broadcast %get3A_18 : vector<1x128xf32> to vector<2048x128xf32>
    %add3A_20 = arith.addf %dot_general3A_15, %add3A_19 : vector<2048x128xf32>
    %max3A = arith.constant 0.000000e+00 : f32
    %max3A_21 = vector.broadcast %max3A : f32 to vector<2048x128xf32>
    %max3A_22 = arith.maximumf %add3A_20, %max3A_21 : vector<2048x128xf32>
    %get3A_23 = arith.constant 0 : index
    %get3A_24 = arith.constant 0 : index
    %get3A_25 = vector.load %arg5[%get3A_23, %get3A_24] : memref<128x64xf32, #tpu.memory_space<vmem>>, vector<128x64xf32>
    %dot_general3A_26 = arith.constant dense<0.000000e+00> : vector<2048x64xf32>
    %dot_general3A_27 = tpu.matmul %max3A_22, %get3A_25, %dot_general3A_26 {dimension_numbers = #tpu.dot_dimension_numbers<[1], [0], [0], [1], [0, 0, 1, 1], [], []>, transpose_lhs_hint = false} : vector<2048x128xf32>, vector<128x64xf32>, vector<2048x64xf32> -> vector<2048x64xf32>
    %get3A_28 = arith.constant 0 : index
    %get3A_29 = arith.constant 0 : index
    %get3A_30 = vector.load %arg6[%get3A_28, %get3A_29] : memref<1x64xf32, #tpu.memory_space<vmem>>, vector<1x64xf32>
    %add3A_31 = vector.broadcast %get3A_30 : vector<1x64xf32> to vector<2048x64xf32>
    %add3A_32 = arith.addf %dot_general3A_27, %add3A_31 : vector<2048x64xf32>
    %max3A_33 = arith.constant 0.000000e+00 : f32
    %max3A_34 = vector.broadcast %max3A_33 : f32 to vector<2048x64xf32>
    %max3A_35 = arith.maximumf %add3A_32, %max3A_34 : vector<2048x64xf32>
    %get3A_36 = arith.constant 0 : index
    %get3A_37 = arith.constant 0 : index
    %get3A_38 = vector.load %arg7[%get3A_36, %get3A_37] : memref<64x1xf32, #tpu.memory_space<vmem>>, vector<64x1xf32>
    %dot_general3A_39 = arith.constant dense<0.000000e+00> : vector<2048x1xf32>
    %dot_general3A_40 = tpu.matmul %max3A_35, %get3A_38, %dot_general3A_39 {dimension_numbers = #tpu.dot_dimension_numbers<[1], [0], [0], [1], [0, 0, 1, 1], [], []>, transpose_lhs_hint = false} : vector<2048x64xf32>, vector<64x1xf32>, vector<2048x1xf32> -> vector<2048x1xf32>
    %get3A_41 = arith.constant 0 : index
    %get3A_42 = arith.constant 0 : index
    %get3A_43 = vector.load %arg8[%get3A_41, %get3A_42] : memref<1x1xf32, #tpu.memory_space<vmem>>, vector<1x1xf32>
    %add3A_44 = vector.broadcast %get3A_43 : vector<1x1xf32> to vector<2048x1xf32>
    %add3A_45 = arith.addf %dot_general3A_40, %add3A_44 : vector<2048x1xf32>
    %add3A_46 = arith.addf %add3A_11, %add3A_45 : vector<2048x1xf32>
    %reshape3A_47 = vector.shape_cast %add3A_46 : vector<2048x1xf32> to vector<1x2048xf32>
    %swap3A = arith.constant 0 : index
    %swap3A_48 = arith.constant 0 : index
    %swap3A_49 = vector.load %arg9[%swap3A, %swap3A_48] : memref<1x2048xf32, #tpu.memory_space<vmem>>, vector<1x2048xf32>
    tpu.vector_store %arg9[%swap3A, %swap3A_48], %reshape3A_47 {strides = array<i32>} : memref<1x2048xf32, #tpu.memory_space<vmem>>, vector<1x2048xf32>,
    return
  }
}

</mosaic_0001>

<sc_bundles>
// kernel: kernel.6.cloned.1.call-start
scs
__scs_entry_jumppad:
0x0: {  	(pc) =	sbr.rel $0x88, $3  }
0x1: {  	(tag) =	ssettag $0x0;
	lr =	simm.s32 $0x1  }
0x2: {  	[smem:$0x3F94] =	sst lr;
	_ =	strace $0xD0000000  }
0x3: {  	_ = 	snop  }
0x4: {  	_ = 	snop  }
0x5: {  	_ = 	snop  }
0x6: {  	_ = 	snop  }
0x7: {  	_ = 	snop  }
__scs_overlays_trampoline_lowered:
0x8: {  	[smem:$0x3FA3] =	sst s0  }
0x9: {  	[smem:$0x3FA4] =	sst s1  }
0xa: {  	[smem:$0x3FA5] =	sst s2  }
0xb: {  	[smem:$0x3FA6] =	sst s3  }
0xc: {  	[smem:$0x3FA7] =	sst s4  }
0xd: {  	[smem:$0x3FA8] =	sst s5  }
0xe: {  	[smem:$0x3FA9] =	sst s6  }
0xf: {  	[smem:$0x3FAA] =	sst s7  }
0x10: {  	[smem:$0x3FAB] =	sst s8  }
0x11: {  	[smem:$0x3FAC] =	sst s9;
	s0 =	simm.s32 @!p0 $0x0  }
0x12: {  	s1 =	sld [smem:$0x3F92];
	s0 =	simm.s32 @p0 $0x1  }
0x13: {  	[smem:$0x3FAD] =	sst s0;
	s0 =	simm.s32 @!p1 $0x0  }
0x14: {  	s2 =	sld [smem:$0x3F91];
	s0 =	simm.s32 @p1 $0x1  }
0x15: {  	[smem:$0x3FAE] =	sst s0;
	s0 =	simm.s32 @!p2 $0x0  }
0x16: {  	s3 =	sld [smem:$0x3FDB];
	s0 =	simm.s32 @p2 $0x1  }
0x17: {  	s4 =	simm.s32 $0x1BF5;
	[smem:$0x3FB0] =	sst s0  }
0x18: {  	s0 =	sld [smem:$0x3F93];
	_ =	swait.ge [sflag:s4], $0x0  }
0x19: {  	s7 =	sld [smem:$0x3F94]  }
0x1a: {  	s8 =	sadd.s32 $0xFFFFE003, lr  }
0x1b: {  	s9 =	sadd.s32 $0xFFFFFEF7, lr;
	s5 =	simm.s32 $0xFFFFFFFF;
	p2 =	slt.u32 s8, $0xFFFFF086  }
0x1c: {  	p1 =	slt.u32 s9, $0xF7A;
	s5 =	simm.s32 @!p2 $0x0  }
0x1d: {  	s5 =	simm.s32 @p1 $0x1;
	p0 =	seq.s32 s7, s2  }
0x1e: {  	s7 =	smul.u32 @!p0 $0xF7A, s2;
	p2 =	seq.s32 @!p0 s5, $0x0  }
0x1f: {  	s9 =	smul.u32 $0xF7A, s1;
	s8 =	simm.s32 @!p0 $0x1BF5;
	p2 =	por !p2, p0  }
0x20: {  	[sflag:s8] =	ssyncset.s32 @!p0 $0xFFFFF086;
	s6 =	sadd.s32 @!p0 s3, s7;
	s7 =	simm.s32 @!p0 $0x108  }
0x21: {  	s3 =	sadd.s32 s3, s9;
	s6 =	sadd.s32 @!p0 $0x88, s6;
	s7 =	simm.s32 @p2 $0x1082  }
0x22: {  	[simem:s7], [sflag:s8] =	dma.local @!p0 [hbm:s6], $0xF7A  }
0x23: {  	s9 =	sor.u32 $0xD0000000, s2;
	s6 =	simm.s32 $0x108;
	_ =	swait.ge @!p0 [sflag:s8], $0x0  }
0x24: {  	s3 =	sadd.s32 $0x88, s3;
	s6 =	simm.s32 @!p1 $0x1082;
	[sflag:s4] =	ssyncset.s32 $0xFFFFF086  }
0x25: {  	[simem:s6], [sflag:s4] =	dma.local [hbm:s3], $0xF7A  }
0x26: {  	[smem:$0x3F94] =	sst s1;
	(tag) =	ssettag s2;
	_ =	strace s9  }
0x27: {  	s1 =	sld [smem:$0x3FA4]  }
0x28: {  	s2 =	sld [smem:$0x3FA5]  }
0x29: {  	s4 =	sld [smem:$0x3FA7]  }
0x2a: {  	p0 =	seq.s32 s5, $0x0;
	s5 =	sld [smem:$0x3FA8]  }
0x2b: {  	s6 =	sld [smem:$0x3FA9]  }
0x2c: {  	s7 =	sld [smem:$0x3FAA]  }
0x2d: {  	s3 =	simm.s32 $0x108;
	s8 =	sld [smem:$0x3FAB]  }
0x2e: {  	s3 =	simm.s32 @!p0 $0x1082;
	s9 =	sld [smem:$0x3FAC]  }
0x2f: {  	lr =	sadd.s32 s0, s3;
	s0 =	sld [smem:$0x3FA3]  }
0x30: {  	s3 =	sld [smem:$0x3FA6]  }
0x31: {  	[smem:$0x3FAF] =	sst s10  }
0x32: {  	s10 =	sld [smem:$0x3FAD];
	_ =	sdelay $0x3  }
0x33: {  	p0 =	seq.s32 s10, $0x1;
	s10 =	sld [smem:$0x3FAF];
	_ =	sdelay $0x3  }
0x34: {  	[smem:$0x3FAF] =	sst s10  }
0x35: {  	s10 =	sld [smem:$0x3FAE];
	_ =	sdelay $0x3  }
0x36: {  	p1 =	seq.s32 s10, $0x1;
	s10 =	sld [smem:$0x3FAF];
	_ =	sdelay $0x3  }
0x37: {  	[smem:$0x3FAF] =	sst s10  }
0x38: {  	s10 =	sld [smem:$0x3FB0]  }
0x39: {  	_ = 	snop;
	(pc) =	sbr.ind lr, $3  }
0x3a: {  	_ = 	snop  }
0x3b: {  	_ = 	snop  }
0x3c: {  	p2 =	seq.s32 s10, $0x1;
	s10 =	sld [smem:$0x3FAF]  }
0x3d: {  	_ =	shalt  }
0x3e: {  	_ =	shalt  }
0x3f: {  	_ =	shalt  }
0x40: {  	_ =	shalt  }
0x41: {  	_ =	shalt  }
0x42: {  	_ =	shalt  }
0x43: {  	_ =	shalt  }
0x44: {  	_ =	shalt  }
0x45: {  	_ =	shalt  }
0x46: {  	_ =	shalt  }
0x47: {  	_ =	shalt  }
0x48: {  	_ =	shalt  }
0x49: {  	_ =	shalt  }
0x4a: {  	_ =	shalt  }
0x4b: {  	_ =	shalt  }
0x4c: {  	_ =	shalt  }
0x4d: {  	_ =	shalt  }
0x4e: {  	_ =	shalt  }
0x4f: {  	_ =	shalt  }
0x50: {  	_ =	shalt  }
0x51: {  	_ =	shalt  }
0x52: {  	_ =	shalt  }
0x53: {  	_ =	shalt  }
0x54: {  	_ =	shalt  }
0x55: {  	_ =	shalt  }
0x56: {  	_ =	shalt  }
0x57: {  	_ =	shalt  }
0x58: {  	_ =	shalt  }
0x59: {  	_ =	shalt  }
0x5a: {  	_ =	shalt  }
0x5b: {  	_ =	shalt  }
0x5c: {  	_ =	shalt  }
0x5d: {  	_ =	shalt  }
0x5e: {  	_ =	shalt  }
0x5f: {  	_ =	shalt  }
0x60: {  	_ =	shalt  }
0x61: {  	_ =	shalt  }
0x62: {  	_ =	shalt  }
0x63: {  	_ =	shalt  }
0x64: {  	_ =	shalt  }
0x65: {  	_ =	shalt  }
0x66: {  	_ =	shalt  }
0x67: {  	_ =	shalt  }
0x68: {  	_ =	shalt  }
0x69: {  	_ =	shalt  }
0x6a: {  	_ =	shalt  }
0x6b: {  	_ =	shalt  }
0x6c: {  	_ =	shalt  }
0x6d: {  	_ =	shalt  }
0x6e: {  	_ =	shalt  }
0x6f: {  	_ =	shalt  }
0x70: {  	_ =	shalt  }
0x71: {  	_ =	shalt  }
0x72: {  	_ =	shalt  }
0x73: {  	_ =	shalt  }
0x74: {  	_ =	shalt  }
0x75: {  	_ =	shalt  }
0x76: {  	_ =	shalt  }
0x77: {  	_ =	shalt  }
0x78: {  	_ =	shalt  }
0x79: {  	_ =	shalt  }
0x7a: {  	_ =	shalt  }
0x7b: {  	_ =	shalt  }
0x7c: {  	_ =	shalt  }
0x7d: {  	_ =	shalt  }
0x7e: {  	_ =	shalt  }
0x7f: {  	_ =	shalt  }
0x80: {  	_ =	shalt  }
0x81: {  	_ =	shalt  }
0x82: {  	_ =	shalt  }
0x83: {  	_ =	shalt  }
0x84: {  	_ =	shalt  }
0x85: {  	_ =	shalt  }
0x86: {  	_ =	shalt  }
0x87: {  	_ =	shalt  }
.Lfunc_end0:
.L_simem_size_0:
called_computation_lowered:
.L_overlay_start_0:
0x88: {  	s2 =	sld [smem:$0x3FD9]  }
0x89: {  	s3 =	sld [smem:$0x3FFE];
	_ =	sdelay $0x1  }
0x8a: {  	s1 =	srdreg.scid  }
0x8b: {  	s0 =	sand.u32 $0x1, s1  }
0x8c: {  	s17 =	sshll.u32 s0, $0xA;
	s2 =	sadd.s32 s3, s2  }
0x8d: {  	s2 =	sadd.s32 s2, s17  }
0x8e: {  	[smem:$0x3FBB] =	sst s2  }
0x8f: {  	_ = 	snop  }
0x90: {  	s2 =	sld [smem:$0x3FC7]  }
0x91: {  	s18 =	sld [smem:$0x3FC6]  }
0x92: {  	s4 =	sld [smem:$0x3FD0];
	(tm) =	ssettm $0x1  }
0x93: {  	s5 =	sld [smem:$0x3FFB];
	_ =	sdelay $0x3  }
0x94: {  	_ =	strace s5  }
0x95: {  	s5 =	sld [smem:$0x3FFC];
	_ =	sdelay $0x3  }
0x96: {  	_ =	strace s5  }
0x97: {  	s5 =	sld [smem:$0x3FFD];
	_ =	sdelay $0x3  }
0x98: {  	_ =	strace s5  }
0x99: {  	_ =	strace $0x8FFFFFFF  }
0x9a: {  	s19 =	sld [smem:$0x3FDB];
	_ =	sdelay $0x1  }
0x9b: {  	s6 =	simm.s32 $_scs_section_size  }
0x9c: {  	s7 =	simm.s32 $_size__tile_overlayer_lowered;
	s8 =	simm.s32 $_tile_overlayer_lowered  }
0x9d: {  	s22 =	simm.s32 $0x1BFF;
	s21 =	sshll.u32 s8, $0x1;
	s5 =	sadd.s32 s6, s19  }
0x9e: {  	s9 =	simm.s32 $0x0;
	s20 =	sshll.u32 s7, $0x1;
	s7 =	sadd.s32 s21, s5  }
0x9f: {  	[timem:s9], [sflag:s22] =	dma.local [hbm:s7], s20  }
0xa0: {  	_ =	swait.ge [sflag:s22], s20  }
0xa1: {  	s6 =	ssub.s32 $0x0, s20;
	[sflag:s22] =	ssyncset.done $0x0  }
0xa2: {  	[sflag:s22] =	ssyncadd.s32 s6;
	_ =	sdelay $0x1  }
0xa3: {  	s23 =	simm.s32 $0x1B8B  }
0xa4: {  	_ =	swait.ge [sflag:s23], $0x1  }
0xa5: {  	[sflag:s23] =	ssyncset.done $0x0  }
0xa6: {  	s25 =	simm.s32 $0x1B8E;
	s24 =	sld [smem:$0x3FFE];
	[sflag:s23] =	ssyncadd.s32 $0xFFFFFFFF  }
0xa7: {  	s26 =	simm.s32 $execute0_lowered;
	[smem:$0x3FD2] =	sst s25  }
0xa8: {  	s7 =	sshll.u32 s26, $0x1;
	_ =	strace $0x80000046;
	[dreg:$0x1] =	wrdreg $0xFFFFFFFF  }
0xa9: {  	s28 =	simm.s32 $_size_execute0_lowered;
	s5 =	sadd.s32 s5, s7;
	[dreg:$0x0] =	wrdreg $0x0  }
0xaa: {  	s7 =	sshll.u32 s28, $0x1;
	[dreg:$0x2] =	wrdreg s5  }
0xab: {  	[dreg:$0x3] =	wrdreg s7  }
0xac: {  	[dreg:$0x4] =	wrdreg $0xC0  }
0xad: {  	_ =	task [dreg:s9], $0x5FFFF  }
0xae: {  	[dreg:$0x1] =	wrdreg $0xFFFFFFFF  }
0xaf: {  	[dreg:$0x0] =	wrdreg $0x60  }
0xb0: {  	[dreg:$0x2] =	wrdreg s24  }
0xb1: {  	[dreg:$0x3] =	wrdreg s4  }
0xb2: {  	[dreg:$0x4] =	wrdreg s2  }
0xb3: {  	[dreg:$0x5] =	wrdreg s18  }
0xb4: {  	[dreg:$0x6] =	wrdreg $0x9  }
0xb5: {  	_ =	task.clear_ibuf [dreg:s9], $0x7FFFF;
	_ =	strace $0x90000046  }
0xb6: {  	s29 =	simm.s32 $0x9;
	_ =	strace $0x80000048  }
0xb7: {  	_ =	swait.ge [sflag:s29], $0x1  }
0xb8: {  	[sflag:s29] =	ssyncadd.s32 $0xFFFFFFFF  }
0xb9: {  	_ =	strace $0x90000048  }
0xba: {  	_ =	sfence  }
0xbb: {  	s30 =	sld [smem:$0x0];
	_ =	sdelay $0x2  }
0xbc: {  	s31 =	sshll.u32 s1, $0xD;
	s1 =	sshrl.u32 s1, $0x2  }
0xbd: {  	s3 =	sand.u32 $0x4000, s31;
	s1 =	sadd.s32 s1, s30  }
0xbe: {  	s0 =	sor.u32 s3, s0;
	s1 =	sshll.u32 s1, $0x11  }
0xbf: {  	s0 =	sor.u32 s1, s0  }
0xc0: {  	s0 =	sadd.s32 $0x8F2B, s0  }
0xc1: {  	[sflag:s0] =	ssyncadd.remote.s32 $0x1  }
0xc2: {  	_ =	sfence.sel $0xFFFF  }
0xc3: {  	[dreg:$0x0] =	wrdreg $0xFFFFFFFF;
	(pc) =	sbr.abs _section_cstart, $3  }
0xc4: {  	[dreg:$0x1] =	wrdreg $0xFFFFFFFF  }
0xc5: {  	_ =	task.clear_ibuf [dreg:s9], $0x2FFFF;
	_ =	strace $0x9FFFFFFF  }
0xc6: {  	(tm) =	ssettm $0x7FFFFFFF  }
0xc7: {  	_ =	shalt  }
tec
execute0_lowered:
.L_overlay_start_1:
0x0: {  	(tag) =	ssettag $0x1  }
0x1: {  	s7 =	rddreg [dreg:$0x0]  }
0x2: {  	s8 =	rddreg [dreg:$0x1]  }
0x3: {  	s1 =	rddreg [dreg:$0x2]  }
0x4: {  	s2 =	rddreg [dreg:$0x3]  }
0x5: {  	s0 =	rddreg [dreg:$0x4];
	s4 =	simm.s32 $0x0;
	s5 =	srdreg.scid  }
0x6: {  	s3 =	stileid.u32;
	s14 =	simm.s32 $0x40;
	s15 =	simm.s32 $0x100  }
0x7: {  	s16 =	simm.s32 $0x2100;
	s17 =	simm.s32 $0x4100;
	s18 =	simm.s32 $0x4180  }
0x8: {  	s19 =	simm.s32 $0x1;
	s20 =	simm.s32 $0x0;
	[smem:$0x7FF] =	sst s4  }
0x9: {  	s9 =	sand.u32 $0x1, s5;
	s10 =	sshll.u32 s3, $0x7;
	s5 =	sadd.s32 $0x1A00, s7  }
0xa: {  	s6 =	sadd.s32 $0x4C00, s7;
	s11 =	sshll.u32 s9, $0x6;
	s9 =	ssub.s32 $0x2, s9  }
0xb: {  	_ =	strace $0x80000047;
	s10 =	sor.u32 s11, s10;
	s31 =	sshrl.u32 s9, $0x1  }
0xc: {  	s11 =	sshll.u32 s10, $0x4;
	s10 =	sshrl.u32 s10, $0x3;
	s13 =	ssub.s32 s9, s31  }
0xd: {  	s11 =	sadd.s32 s11, s7;
	s12 =	sadd.s32 s10, s7;
	s8 =	sadd.s32 s8, s10  }
0xe: {  	s7 =	sadd.s32 $0x7E00, s12;
	s9 =	sadd.s32 $0x8400, s11;
	s10 =	sadd.s32 $0x10400, s12  }
0xf: {  	s11 =	smax.u32 s13, $0x1;
	s12 =	simm.s32 $0x2;
	s13 =	simm.s32 $0x80  }
.LBB2_1:
0x10: {  	[tilespmem:s4], [sflag:$0x2] =	stream.linear.gather [hbm4b:s7+s4], $0x40, $0x38;
	[tilespmem:$0x4200] =	vst v63  }
0x11: {  	_ =	swait.ge [sflag:s12], $0x40  }
0x12: {  	[sflag:s12] =	ssyncset.done $0x0  }
0x13: {  	[sflag:s12] =	ssyncadd.s32 $0xFFFFFFC0  }
0x14: {  	[tilespmem:s13], [sflag:$0x2] =	stream.linear.gather [hbm4b:s8+s4], $0x40, $0x38;
	[tilespmem:$0x4200] =	vst v63  }
0x15: {  	_ =	swait.ge [sflag:s12], $0x40  }
0x16: {  	[sflag:s12] =	ssyncset.done $0x0  }
0x17: {  	[sflag:s12] =	ssyncadd.s32 $0xFFFFFFC0  }
0x18: {  	[tilespmem:s15], [sflag:$0x1] =	stream.indirect.gather [hbm4b:s1+s14], $0x80, s4, s14, $0xb8;
	[tilespmem:$0x4200] =	vst v63  }
0x19: {  	_ = 	snop  }
0x1a: {  	[tilespmem:s16], [sflag:$0x1] =	stream.indirect.gather [hbm4b:s2+s14], $0x80, s13, s14, $0xb8;
	[tilespmem:$0x4200] =	vst v63  }
0x1b: {  	_ = 	snop  }
0x1c: {  	[tilespmem:s17], [sflag:$0x1] =	stream.indirect.gather [hbm4b:s5+s14], $0x1, s4, s14, $0xb8;
	[tilespmem:$0x4200] =	vst v63  }
0x1d: {  	_ = 	snop  }
0x1e: {  	[tilespmem:s18], [sflag:$0x1] =	stream.indirect.gather [hbm4b:s6+s14], $0x1, s13, s14, $0xb8;
	[tilespmem:$0x4200] =	vst v63  }
0x1f: {  	_ =	swait.ge [sflag:s19], $0x2000  }
0x20: {  	[sflag:s19] =	ssyncset.done $0x0  }
0x21: {  	[sflag:s19] =	ssyncadd.s32 $0xFFFFE000  }
0x22: {  	_ =	swait.ge [sflag:s19], $0x2000  }
0x23: {  	[sflag:s19] =	ssyncset.done $0x0  }
0x24: {  	[sflag:s19] =	ssyncadd.s32 $0xFFFFE000  }
0x25: {  	_ =	swait.ge [sflag:s19], $0x40  }
0x26: {  	[sflag:s19] =	ssyncset.done $0x0  }
0x27: {  	[sflag:s19] =	ssyncadd.s32 $0xFFFFFFC0  }
0x28: {  	_ =	swait.ge [sflag:s19], $0x40  }
0x29: {  	[sflag:s19] =	ssyncset.done $0x0  }
0x2a: {  	s21 =	simm.s32 $0x180;
	[sflag:s19] =	ssyncadd.s32 $0xFFFFFFC0  }
0x2b: {  	s26 =	simm.s32 $0x2180;
	v0 =	vld [tilespmem:s21+$0x0]  }
0x2c: {  	v1 =	vld [tilespmem:s26+$0x0];
	_ =	sdelay $0x3  }
0x2d: {  	v2 =	vld [tilespmem:s21+$0xFFFFFF80]  }
0x2e: {  	v0 =	vmul.f32 v1, v0;
	v1 =	vld [tilespmem:s26+$0xFFFFFF80];
	_ =	sdelay $0x1  }
0x2f: {  	[tilespmem:s21+$0x0] =	vst v0;
	v0 =	vld [tilespmem:s21+$0x10]  }
0x30: {  	v3 =	vld [tilespmem:s26+$0x10];
	_ =	sdelay $0x1  }
0x31: {  	v1 =	vmul.f32 v1, v2;
	_ =	sdelay $0x1  }
0x32: {  	v4 =	vld [tilespmem:s21+$0xFFFFFF90];
	[tilespmem:s21+$0xFFFFFF80] =	vst v1  }
0x33: {  	v0 =	vmul.f32 v3, v0;
	v1 =	vld [tilespmem:s26+$0xFFFFFF90];
	_ =	sdelay $0x1  }
0x34: {  	[tilespmem:s21+$0x10] =	vst v0;
	v0 =	vld [tilespmem:s21+$0x20]  }
0x35: {  	v3 =	vld [tilespmem:s26+$0x20]  }
0x36: {  	v5 =	vld [tilespmem:s21+$0xFFFFFFB0]  }
0x37: {  	s22 =	simm.s32 $0x280;
	v6 =	vld [tilespmem:s21+$0xFFFFFFD0];
	v1 =	vmul.f32 v1, v4  }
0x38: {  	v7 =	vld [tilespmem:s22+$0x0]  }
0x39: {  	v2 =	vld [tilespmem:s21+$0xFFFFFFA0];
	[tilespmem:s21+$0xFFFFFF90] =	vst v1  }
0x3a: {  	v0 =	vmul.f32 v3, v0;
	v1 =	vld [tilespmem:s26+$0xFFFFFFA0]  }
0x3b: {  	v8 =	vld [tilespmem:s21+$0xFFFFFFE0]  }
0x3c: {  	[tilespmem:s21+$0x20] =	vst v0;
	v0 =	vld [tilespmem:s21+$0x30]  }
0x3d: {  	s23 =	simm.s32 $0x2280;
	v3 =	vld [tilespmem:s26+$0x30]  }
0x3e: {  	v10 =	vld [tilespmem:s23+$0xFFFFFF80]  }
0x3f: {  	v1 =	vmul.f32 v1, v2;
	v2 =	vld [tilespmem:s23+$0x0]  }
0x40: {  	v12 =	vld [tilespmem:s22+$0xFFFFFF90]  }
0x41: {  	s25 =	simm.s32 $0x2380;
	v13 =	vld [tilespmem:s22+$0xFFFFFFD0]  }
0x42: {  	v15 =	vld [tilespmem:s25+$0xFFFFFF80];
	v0 =	vmul.f32 v3, v0  }
0x43: {  	[tilespmem:s21+$0xFFFFFFA0] =	vst v1;
	v1 =	vld [tilespmem:s21+$0x40]  }
0x44: {  	[tilespmem:s21+$0x30] =	vst v0;
	v2 =	vmul.f32 v2, v7;
	v7 =	vld [tilespmem:s22+$0xFFFFFF80]  }
0x45: {  	s24 =	simm.s32 $0x380;
	v9 =	vld [tilespmem:s26+$0x40]  }
0x46: {  	v16 =	vld [tilespmem:s24+$0xFFFFFF80]  }
0x47: {  	v3 =	vld [tilespmem:s26+$0xFFFFFFB0]  }
0x48: {  	v17 =	vld [tilespmem:s22+$0x50]  }
0x49: {  	[tilespmem:s22+$0x0] =	vst v2;
	v2 =	vld [tilespmem:s22+$0x10];
	v7 =	vmul.f32 v10, v7  }
0x4a: {  	v11 =	vld [tilespmem:s23+$0x10];
	v1 =	vmul.f32 v9, v1  }
0x4b: {  	v9 =	vld [tilespmem:s21+$0x50];
	[tilespmem:s22+$0xFFFFFF80] =	vst v7  }
0x4c: {  	[tilespmem:s21+$0x40] =	vst v1;
	v1 =	vmul.f32 v3, v5;
	v5 =	vld [tilespmem:s23+$0xFFFFFF90]  }
0x4d: {  	v3 =	vld [tilespmem:s26+$0x50]  }
0x4e: {  	v60 =	vld [tilespmem:s24+$0xFFFFFFA0]  }
0x4f: {  	v4 =	vld [tilespmem:s21+$0xFFFFFFC0];
	v2 =	vmul.f32 v11, v2;
	[tilespmem:s21+$0xFFFFFFB0] =	vst v1  }
0x50: {  	v1 =	vld [tilespmem:s26+$0xFFFFFFC0]  }
0x51: {  	[tilespmem:s22+$0x10] =	vst v2;
	v2 =	vld [tilespmem:s22+$0x20]  }
0x52: {  	v5 =	vmul.f32 v5, v12;
	v3 =	vmul.f32 v3, v9;
	v9 =	vld [tilespmem:s23+$0x20]  }
0x53: {  	v18 =	vld [tilespmem:s22+$0x60];
	v15 =	vmul.f32 v15, v16  }
0x54: {  	v10 =	vld [tilespmem:s22+$0xFFFFFFA0];
	[tilespmem:s22+$0xFFFFFF90] =	vst v5  }
0x55: {  	[tilespmem:s24+$0xFFFFFF80] =	vst v15;
	v1 =	vmul.f32 v1, v4;
	v4 =	vld [tilespmem:s23+$0xFFFFFFA0]  }
0x56: {  	v15 =	vld [tilespmem:s25+$0xFFFFFF90]  }
0x57: {  	v0 =	vld [tilespmem:s21+$0xFFFFFFF0];
	[tilespmem:s21+$0xFFFFFFC0] =	vst v1;
	v1 =	vmul.f32 v9, v2  }
0x58: {  	v7 =	vld [tilespmem:s22+$0xFFFFFFB0]  }
0x59: {  	v5 =	vld [tilespmem:s22+$0x30];
	[tilespmem:s22+$0x20] =	vst v1  }
0x5a: {  	v4 =	vmul.f32 v4, v10;
	v10 =	vld [tilespmem:s23+$0x30]  }
0x5b: {  	v2 =	vld [tilespmem:s26+$0xFFFFFFD0]  }
0x5c: {  	v11 =	vld [tilespmem:s21+$0x60]  }
0x5d: {  	v12 =	vld [tilespmem:s22+$0xFFFFFFC0];
	[tilespmem:s21+$0x50] =	vst v3  }
0x5e: {  	v3 =	vld [tilespmem:s26+$0x60]  }
0x5f: {  	[tilespmem:s22+$0xFFFFFFA0] =	vst v4;
	v4 =	vld [tilespmem:s24+$0x0];
	v5 =	vmul.f32 v10, v5  }
0x60: {  	v2 =	vmul.f32 v2, v6;
	v6 =	vld [tilespmem:s25+$0x0]  }
0x61: {  	v10 =	vld [tilespmem:s22+$0x40];
	[tilespmem:s22+$0x30] =	vst v5  }
0x62: {  	v5 =	vld [tilespmem:s23+$0x40]  }
0x63: {  	v9 =	vld [tilespmem:s21+$0x70];
	v3 =	vmul.f32 v3, v11  }
0x64: {  	v1 =	vld [tilespmem:s22+$0xFFFFFFE0]  }
0x65: {  	[tilespmem:s21+$0x60] =	vst v3;
	v3 =	vld [tilespmem:s23+$0xFFFFFFB0];
	v4 =	vmul.f32 v6, v4  }
0x66: {  	v6 =	vld [tilespmem:s24+$0xFFFFFF90]  }
0x67: {  	[tilespmem:s24+$0x0] =	vst v4;
	v4 =	vld [tilespmem:s24+$0x10];
	v5 =	vmul.f32 v5, v10  }
0x68: {  	v10 =	vld [tilespmem:s25+$0x10]  }
0x69: {  	v11 =	vld [tilespmem:s26+$0x70];
	[tilespmem:s22+$0x40] =	vst v5  }
0x6a: {  	v3 =	vmul.f32 v3, v7;
	v7 =	vld [tilespmem:s23+$0x50]  }
0x6b: {  	[tilespmem:s21+$0xFFFFFFD0] =	vst v2;
	v2 =	vld [tilespmem:s22+$0xFFFFFFF0]  }
0x6c: {  	v14 =	vld [tilespmem:s26+$0xFFFFFFE0];
	[tilespmem:s22+$0xFFFFFFB0] =	vst v3;
	v6 =	vmul.f32 v15, v6  }
0x6d: {  	v3 =	vmul.f32 v10, v4;
	v10 =	vld [tilespmem:s23+$0xFFFFFFC0]  }
0x6e: {  	[tilespmem:s24+$0xFFFFFF90] =	vst v6;
	v6 =	vld [tilespmem:s24+$0xFFFFFFE0]  }
0x6f: {  	v5 =	vld [tilespmem:s24+$0xFFFFFFB0];
	[tilespmem:s24+$0x10] =	vst v3;
	v3 =	vmul.f32 v7, v17  }
0x70: {  	v7 =	vld [tilespmem:s24+$0x20]  }
0x71: {  	v15 =	vld [tilespmem:s25+$0x20];
	[tilespmem:s22+$0x50] =	vst v3  }
0x72: {  	v10 =	vmul.f32 v10, v12;
	v12 =	vld [tilespmem:s23+$0x60]  }
0x73: {  	v61 =	vld [tilespmem:s25+$0xFFFFFFA0]  }
0x74: {  	v4 =	vld [tilespmem:s24+$0xFFFFFFC0];
	[tilespmem:s22+$0xFFFFFFC0] =	vst v10  }
0x75: {  	v10 =	vld [tilespmem:s23+$0xFFFFFFD0]  }
0x76: {  	v3 =	vld [tilespmem:s24+$0xFFFFFFD0];
	v7 =	vmul.f32 v15, v7  }
0x77: {  	v15 =	vld [tilespmem:s22+$0x70];
	v12 =	vmul.f32 v12, v18  }
0x78: {  	[tilespmem:s24+$0x20] =	vst v7;
	v7 =	vmul.f32 v14, v8;
	v14 =	vld [tilespmem:s24+$0x30]  }
0x79: {  	v8 =	vmul.f32 v61, v60;
	v62 =	vld [tilespmem:s25+$0x30];
	[tilespmem:s22+$0x60] =	vst v12  }
0x7a: {  	[tilespmem:s21+$0xFFFFFFE0] =	vst v7;
	v7 =	vmul.f32 v10, v13;
	v63 =	vld [tilespmem:s23+$0x70]  }
0x7b: {  	[tilespmem:s24+$0xFFFFFFA0] =	vst v8;
	v8 =	vld [tilespmem:s26+$0xFFFFFFF0]  }
0x7c: {  	v12 =	vld [tilespmem:s25+$0xFFFFFFB0];
	[tilespmem:s22+$0xFFFFFFD0] =	vst v7  }
0x7d: {  	v10 =	vmul.f32 v11, v9;
	v9 =	vld [tilespmem:s23+$0xFFFFFFE0]  }
0x7e: {  	v7 =	vld [tilespmem:s24+$0xFFFFFFF0];
	v13 =	vmul.f32 v62, v14  }
0x7f: {  	s28 =	simm.s32 $0x4;
	s29 =	simm.s32 $0x480;
	s26 =	simm.s32 $0x2380;
	[tilespmem:s21+$0x70] =	vst v10;
	v10 =	vld [tilespmem:s24+$0x40];
	v11 =	vmul.f32 v63, v15  }
.LBB2_2:
0x80: {  	v14 =	vld [tilespmem:s29+$0x0];
	[tilespmem:s24+$0x30] =	vst v13;
	s25 =	sadd.s32 $0x100, s25;
	v8 =	vmul.f32 v8, v0;
	v0 =	vmov v2  }
0x81: {  	v13 =	vld [tilespmem:s25+$0x0];
	v12 =	vmul.f32 v12, v5;
	[tilespmem:s22+$0x70] =	vst v11  }
0x82: {  	s28 =	sadd.s32 $0x2, s28;
	v5 =	vld [tilespmem:s26+$0x40];
	v9 =	vmul.f32 v9, v1;
	[tilespmem:s21+$0xFFFFFFF0] =	vst v8;
	v1 =	vmov v6;
	s21 =	smov.u32 s22;
	s22 =	smov.u32 s24  }
0x83: {  	p0 =	slt.u32 s28, $0x3E;
	s24 =	smov.u32 s29;
	v6 =	vld [tilespmem:s25+$0xFFFFFF80];
	[tilespmem:s22+$0xFFFFFFB0] =	vst v12;
	v2 =	vmov v7  }
0x84: {  	v7 =	vld [tilespmem:s29+$0xFFFFFF80];
	[tilespmem:s21+$0xFFFFFFE0] =	vst v9  }
0x85: {  	v8 =	vld [tilespmem:s29+$0xFFFFFF90]  }
0x86: {  	v9 =	vld [tilespmem:s29+$0xFFFFFFA0];
	v11 =	vmul.f32 v13, v14  }
0x87: {  	v5 =	vmul.f32 v5, v10;
	v10 =	vld [tilespmem:s22+$0x50]  }
0x88: {  	[tilespmem:s29+$0x0] =	vst v11;
	v11 =	vld [tilespmem:s29+$0x10]  }
0x89: {  	v6 =	vmul.f32 v6, v7;
	v7 =	vld [tilespmem:s25+$0x10];
	[tilespmem:s22+$0x40] =	vst v5  }
0x8a: {  	v12 =	vld [tilespmem:s26+$0x50]  }
0x8b: {  	[tilespmem:s29+$0xFFFFFF80] =	vst v6;
	v5 =	vld [tilespmem:s29+$0xFFFFFFB0]  }
0x8c: {  	v6 =	vld [tilespmem:s25+$0xFFFFFF90]  }
0x8d: {  	v13 =	vld [tilespmem:s26+$0xFFFFFFC0]  }
0x8e: {  	v14 =	vld [tilespmem:s29+$0xFFFFFFC0];
	v7 =	vmul.f32 v7, v11  }
0x8f: {  	v10 =	vmul.f32 v12, v10;
	v11 =	vld [tilespmem:s22+$0x60]  }
0x90: {  	[tilespmem:s29+$0x10] =	vst v7;
	v7 =	vld [tilespmem:s29+$0x20]  }
0x91: {  	v6 =	vmul.f32 v6, v8;
	v8 =	vld [tilespmem:s25+$0x20];
	[tilespmem:s22+$0x50] =	vst v10  }
0x92: {  	v10 =	vmul.f32 v13, v4;
	v12 =	vld [tilespmem:s26+$0x60]  }
0x93: {  	[tilespmem:s29+$0xFFFFFF90] =	vst v6;
	v13 =	vld [tilespmem:s29+$0xFFFFFFD0];
	v4 =	vmov v14  }
0x94: {  	v14 =	vld [tilespmem:s25+$0xFFFFFFA0];
	[tilespmem:s22+$0xFFFFFFC0] =	vst v10  }
0x95: {  	v10 =	vld [tilespmem:s26+$0xFFFFFFD0]  }
0x96: {  	v6 =	vld [tilespmem:s29+$0xFFFFFFE0];
	v7 =	vmul.f32 v8, v7  }
0x97: {  	v8 =	vmul.f32 v12, v11;
	v11 =	vld [tilespmem:s22+$0x70]  }
0x98: {  	[tilespmem:s29+$0x20] =	vst v7;
	v15 =	vld [tilespmem:s29+$0x30]  }
0x99: {  	v7 =	vmul.f32 v14, v9;
	v14 =	vld [tilespmem:s25+$0x30];
	[tilespmem:s22+$0x60] =	vst v8  }
0x9a: {  	v9 =	vmul.f32 v10, v3;
	v16 =	vld [tilespmem:s26+$0x70];
	v3 =	vmov v13  }
.Ltmp0:
0x9b: {  	[tilespmem:s29+$0xFFFFFFA0] =	vst v7;
	v8 =	vld [tilespmem:s23+$0xFFFFFFF0];
	s23 =	smov.u32 s26;
	s26 =	smov.u32 s25;
	(pc) =	sbr.rel @p0 .LBB2_2-.Ltmp0, $4  }
0x9c: {  	v12 =	vld [tilespmem:s25+$0xFFFFFFB0];
	[tilespmem:s22+$0xFFFFFFD0] =	vst v9  }
0x9d: {  	v9 =	vld [tilespmem:s23+$0xFFFFFFE0]  }
0x9e: {  	v7 =	vld [tilespmem:s29+$0xFFFFFFF0];
	v13 =	vmul.f32 v14, v15  }
0x9f: {  	s29 =	sadd.s32 $0x100, s29;
	v10 =	vld [tilespmem:s24+$0x40];
	v11 =	vmul.f32 v16, v11  }
0xa0: {  	_ = 	snop  }
0xa1: {  	v5 =	vmul.f32 v12, v5  }
0xa2: {  	[tilespmem:s24+$0x30] =	vst v13  }
0xa3: {  	v45 =	vld [tilespmem:s26+$0x40];
	[tilespmem:s24+$0xFFFFFFB0] =	vst v5  }
0xa4: {  	v5 =	vld [tilespmem:s26+$0xFFFFFFC0];
	_ =	sdelay $0x3  }
0xa5: {  	v10 =	vmul.f32 v45, v10  }
0xa6: {  	v4 =	vmul.f32 v5, v4  }
0xa7: {  	v46 =	vld [tilespmem:s24+$0x50];
	[tilespmem:s24+$0x40] =	vst v10  }
0xa8: {  	v47 =	vld [tilespmem:s26+$0x50];
	[tilespmem:s24+$0xFFFFFFC0] =	vst v4  }
0xa9: {  	v4 =	vld [tilespmem:s26+$0xFFFFFFD0];
	_ =	sdelay $0x3  }
0xaa: {  	v5 =	vmul.f32 v47, v46  }
0xab: {  	v3 =	vmul.f32 v4, v3  }
0xac: {  	v48 =	vld [tilespmem:s24+$0x60];
	[tilespmem:s24+$0x50] =	vst v5  }
0xad: {  	v49 =	vld [tilespmem:s26+$0x60];
	[tilespmem:s24+$0xFFFFFFD0] =	vst v3  }
0xae: {  	v3 =	vld [tilespmem:s26+$0xFFFFFFE0];
	_ =	sdelay $0x2  }
0xaf: {  	v1 =	vmul.f32 v9, v1  }
0xb0: {  	v4 =	vmul.f32 v49, v48  }
0xb1: {  	v50 =	vld [tilespmem:s24+$0x70];
	[tilespmem:s22+$0xFFFFFFE0] =	vst v1;
	v3 =	vmul.f32 v3, v6  }
0xb2: {  	v52 =	vld [tilespmem:s23+$0xFFFFFFF0];
	[tilespmem:s24+$0x60] =	vst v4  }
0xb3: {  	v51 =	vld [tilespmem:s26+$0x70];
	[tilespmem:s24+$0xFFFFFFE0] =	vst v3  }
0xb4: {  	v3 =	vld [tilespmem:s26+$0xFFFFFFF0];
	_ =	sdelay $0x1  }
0xb5: {  	v0 =	vmul.f32 v8, v0  }
0xb6: {  	[tilespmem:s22+$0x70] =	vst v11;
	v53 =	vmul.f32 v52, v2  }
0xb7: {  	[tilespmem:s21+$0xFFFFFFF0] =	vst v0;
	v1 =	vmul.f32 v51, v50  }
0xb8: {  	[tilespmem:s22+$0xFFFFFFF0] =	vst v53;
	v54 =	vmul.f32 v3, v7  }
0xb9: {  	[tilespmem:s24+$0x70] =	vst v1  }
0xba: {  	[tilespmem:s24+$0xFFFFFFF0] =	vst v54  }
0xbb: {  	v0 =	vld [tilespmem:$0x4100]  }
0xbc: {  	v1 =	vld [tilespmem:$0x4180]  }
0xbd: {  	v55 =	vld [tilespmem:$0x4110]  }
0xbe: {  	v56 =	vld [tilespmem:$0x4190]  }
0xbf: {  	v57 =	vld [tilespmem:$0x4120]  }
0xc0: {  	v58 =	vld [tilespmem:$0x41A0]  }
0xc1: {  	v59 =	vld [tilespmem:$0x4130]  }
0xc2: {  	v60 =	vld [tilespmem:$0x41B0];
	_ =	sdelay $0x1  }
0xc3: {  	v0 =	vadd.f32 v1, v0  }
0xc4: {  	v61 =	vadd.f32 v56, v55  }
0xc5: {  	v62 =	vadd.f32 v58, v57;
	[tilespmem:$0x4100] =	vst v0  }
0xc6: {  	v63 =	vadd.f32 v60, v59;
	[tilespmem:$0x4110] =	vst v61  }
0xc7: {  	[tilespmem:$0x4120] =	vst v62  }
0xc8: {  	[tilespmem:$0x4130] =	vst v63  }
0xc9: {  	[hbm4b:s9+s4] =	stream.linear.scatter [tilespmem:s15], [sflag:$0x2], $0x2000, $0x38;
	[tilespmem:$0x4200] =	vst v63  }
0xca: {  	s20 =	sadd.s32 $0x1, s20;
	_ =	swait.ge [sflag:s12], $0x2000  }
0xcb: {  	p0 =	sne.s32 s20, s11;
	[sflag:s12] =	ssyncset.done $0x0  }
.Ltmp1:
0xcc: {  	[sflag:s12] =	ssyncadd.s32 $0xFFFFE000;
	(pc) =	sbr.rel @p0 .LBB2_1-.Ltmp1, $4  }
0xcd: {  	[hbm4b:s10+s4] =	stream.linear.scatter [tilespmem:s17], [sflag:$0x2], $0x40, $0x38;
	[tilespmem:$0x4200] =	vst v63  }
0xce: {  	_ =	swait.ge [sflag:s12], $0x40  }
0xcf: {  	[sflag:s12] =	ssyncset.done $0x0  }
0xd0: {  	[sflag:s12] =	ssyncadd.s32 $0xFFFFFFC0  }
0xd1: {  	_ =	sfence.sel $0x180000  }
0xd2: {  	[bflag:$0x0] =	sbarrier.arrive $0xFFFF  }
0xd3: {  	p0 =	sne.s32 s3, $0x0;
	_ =	strace $0x90000047  }
0xd4: {  	s0 =	sadd.s32 @!p0 $0x100000, s0;
	[bflag:$0x2] =	sbarrier.arrive $0xFFFF  }
0xd5: {  	[sflag:s0] =	ssyncadd.tile.s32 @!p0 $0x1;
	_ =	shalt  }
.Lfunc_end2:
_tile_overlayer_lowered:
.L_overlay_start_2:
0xd6: {  	(tag) =	ssettag $0x2  }
0xd7: {  	s0 =	rddreg [dreg:$0x0];
	s2 =	stileid.u32  }
0xd8: {  	s1 =	rddreg [dreg:$0x1];
	p0 =	sne.s32 s2, $0x0  }
0xd9: {  	s3 =	rddreg [dreg:$0x2];
	[bflag:$0x3] =	sbarrier.arrive $0xFFFF;
	s2 =	simm.s32 @!p0 $0x1C02  }
0xda: {  	[timem:s3], [sflag:s2] =	dma.local @!p0 [hbm:s0], s1  }
0xdb: {  	s0 =	simm.s32 @!p0 $0x2  }
0xdc: {  	_ =	swait.ge @!p0 [sflag:s0], s1  }
0xdd: {  	s1 =	ssub.s32 @!p0 $0x0, s1;
	[sflag:s0] =	ssyncset.done @!p0 $0x0  }
0xde: {  	[sflag:s0] =	ssyncadd.s32 @!p0 s1  }
0xdf: {  	[bflag:$0x3] =	sbarrier.arrive $0xFFFF  }
0xe0: {  	_ =	shalt  }

// kernel: kernel.9.cloned.1.call-start
scs
__scs_entry_jumppad:
0x0: {  	(pc) =	sbr.rel $0x88, $3  }
0x1: {  	(tag) =	ssettag $0x0;
	lr =	simm.s32 $0x1  }
0x2: {  	[smem:$0x3F94] =	sst lr;
	_ =	strace $0xD0000000  }
0x3: {  	_ = 	snop  }
0x4: {  	_ = 	snop  }
0x5: {  	_ = 	snop  }
0x6: {  	_ = 	snop  }
0x7: {  	_ = 	snop  }
__scs_overlays_trampoline_lowered:
0x8: {  	[smem:$0x3FA3] =	sst s0  }
0x9: {  	[smem:$0x3FA4] =	sst s1  }
0xa: {  	[smem:$0x3FA5] =	sst s2  }
0xb: {  	[smem:$0x3FA6] =	sst s3  }
0xc: {  	[smem:$0x3FA7] =	sst s4  }
0xd: {  	[smem:$0x3FA8] =	sst s5  }
0xe: {  	[smem:$0x3FA9] =	sst s6  }
0xf: {  	[smem:$0x3FAA] =	sst s7  }
0x10: {  	[smem:$0x3FAB] =	sst s8  }
0x11: {  	[smem:$0x3FAC] =	sst s9;
	s0 =	simm.s32 @!p0 $0x0  }
0x12: {  	s1 =	sld [smem:$0x3F92];
	s0 =	simm.s32 @p0 $0x1  }
0x13: {  	[smem:$0x3FAD] =	sst s0;
	s0 =	simm.s32 @!p1 $0x0  }
0x14: {  	s2 =	sld [smem:$0x3F91];
	s0 =	simm.s32 @p1 $0x1  }
0x15: {  	[smem:$0x3FAE] =	sst s0;
	s0 =	simm.s32 @!p2 $0x0  }
0x16: {  	s3 =	sld [smem:$0x3FDB];
	s0 =	simm.s32 @p2 $0x1  }
0x17: {  	s4 =	simm.s32 $0x1BF5;
	[smem:$0x3FB0] =	sst s0  }
0x18: {  	s0 =	sld [smem:$0x3F93];
	_ =	swait.ge [sflag:s4], $0x0  }
0x19: {  	s7 =	sld [smem:$0x3F94]  }
0x1a: {  	s8 =	sadd.s32 $0xFFFFE003, lr  }
0x1b: {  	s9 =	sadd.s32 $0xFFFFFEF7, lr;
	s5 =	simm.s32 $0xFFFFFFFF;
	p2 =	slt.u32 s8, $0xFFFFF086  }
0x1c: {  	p1 =	slt.u32 s9, $0xF7A;
	s5 =	simm.s32 @!p2 $0x0  }
0x1d: {  	s5 =	simm.s32 @p1 $0x1;
	p0 =	seq.s32 s7, s2  }
0x1e: {  	s7 =	smul.u32 @!p0 $0xF7A, s2;
	p2 =	seq.s32 @!p0 s5, $0x0  }
0x1f: {  	s9 =	smul.u32 $0xF7A, s1;
	s8 =	simm.s32 @!p0 $0x1BF5;
	p2 =	por !p2, p0  }
0x20: {  	[sflag:s8] =	ssyncset.s32 @!p0 $0xFFFFF086;
	s6 =	sadd.s32 @!p0 s3, s7;
	s7 =	simm.s32 @!p0 $0x108  }
0x21: {  	s3 =	sadd.s32 s3, s9;
	s6 =	sadd.s32 @!p0 $0x88, s6;
	s7 =	simm.s32 @p2 $0x1082  }
0x22: {  	[simem:s7], [sflag:s8] =	dma.local @!p0 [hbm:s6], $0xF7A  }
0x23: {  	s9 =	sor.u32 $0xD0000000, s2;
	s6 =	simm.s32 $0x108;
	_ =	swait.ge @!p0 [sflag:s8], $0x0  }
0x24: {  	s3 =	sadd.s32 $0x88, s3;
	s6 =	simm.s32 @!p1 $0x1082;
	[sflag:s4] =	ssyncset.s32 $0xFFFFF086  }
0x25: {  	[simem:s6], [sflag:s4] =	dma.local [hbm:s3], $0xF7A  }
0x26: {  	[smem:$0x3F94] =	sst s1;
	(tag) =	ssettag s2;
	_ =	strace s9  }
0x27: {  	s1 =	sld [smem:$0x3FA4]  }
0x28: {  	s2 =	sld [smem:$0x3FA5]  }
0x29: {  	s4 =	sld [smem:$0x3FA7]  }
0x2a: {  	p0 =	seq.s32 s5, $0x0;
	s5 =	sld [smem:$0x3FA8]  }
0x2b: {  	s6 =	sld [smem:$0x3FA9]  }
0x2c: {  	s7 =	sld [smem:$0x3FAA]  }
0x2d: {  	s3 =	simm.s32 $0x108;
	s8 =	sld [smem:$0x3FAB]  }
0x2e: {  	s3 =	simm.s32 @!p0 $0x1082;
	s9 =	sld [smem:$0x3FAC]  }
0x2f: {  	lr =	sadd.s32 s0, s3;
	s0 =	sld [smem:$0x3FA3]  }
0x30: {  	s3 =	sld [smem:$0x3FA6]  }
0x31: {  	[smem:$0x3FAF] =	sst s10  }
0x32: {  	s10 =	sld [smem:$0x3FAD];
	_ =	sdelay $0x3  }
0x33: {  	p0 =	seq.s32 s10, $0x1;
	s10 =	sld [smem:$0x3FAF];
	_ =	sdelay $0x3  }
0x34: {  	[smem:$0x3FAF] =	sst s10  }
0x35: {  	s10 =	sld [smem:$0x3FAE];
	_ =	sdelay $0x3  }
0x36: {  	p1 =	seq.s32 s10, $0x1;
	s10 =	sld [smem:$0x3FAF];
	_ =	sdelay $0x3  }
0x37: {  	[smem:$0x3FAF] =	sst s10  }
0x38: {  	s10 =	sld [smem:$0x3FB0]  }
0x39: {  	_ = 	snop;
	(pc) =	sbr.ind lr, $3  }
0x3a: {  	_ = 	snop  }
0x3b: {  	_ = 	snop  }
0x3c: {  	p2 =	seq.s32 s10, $0x1;
	s10 =	sld [smem:$0x3FAF]  }
0x3d: {  	_ =	shalt  }
0x3e: {  	_ =	shalt  }
0x3f: {  	_ =	shalt  }
0x40: {  	_ =	shalt  }
0x41: {  	_ =	shalt  }
0x42: {  	_ =	shalt  }
0x43: {  	_ =	shalt  }
0x44: {  	_ =	shalt  }
0x45: {  	_ =	shalt  }
0x46: {  	_ =	shalt  }
0x47: {  	_ =	shalt  }
0x48: {  	_ =	shalt  }
0x49: {  	_ =	shalt  }
0x4a: {  	_ =	shalt  }
0x4b: {  	_ =	shalt  }
0x4c: {  	_ =	shalt  }
0x4d: {  	_ =	shalt  }
0x4e: {  	_ =	shalt  }
0x4f: {  	_ =	shalt  }
0x50: {  	_ =	shalt  }
0x51: {  	_ =	shalt  }
0x52: {  	_ =	shalt  }
0x53: {  	_ =	shalt  }
0x54: {  	_ =	shalt  }
0x55: {  	_ =	shalt  }
0x56: {  	_ =	shalt  }
0x57: {  	_ =	shalt  }
0x58: {  	_ =	shalt  }
0x59: {  	_ =	shalt  }
0x5a: {  	_ =	shalt  }
0x5b: {  	_ =	shalt  }
0x5c: {  	_ =	shalt  }
0x5d: {  	_ =	shalt  }
0x5e: {  	_ =	shalt  }
0x5f: {  	_ =	shalt  }
0x60: {  	_ =	shalt  }
0x61: {  	_ =	shalt  }
0x62: {  	_ =	shalt  }
0x63: {  	_ =	shalt  }
0x64: {  	_ =	shalt  }
0x65: {  	_ =	shalt  }
0x66: {  	_ =	shalt  }
0x67: {  	_ =	shalt  }
0x68: {  	_ =	shalt  }
0x69: {  	_ =	shalt  }
0x6a: {  	_ =	shalt  }
0x6b: {  	_ =	shalt  }
0x6c: {  	_ =	shalt  }
0x6d: {  	_ =	shalt  }
0x6e: {  	_ =	shalt  }
0x6f: {  	_ =	shalt  }
0x70: {  	_ =	shalt  }
0x71: {  	_ =	shalt  }
0x72: {  	_ =	shalt  }
0x73: {  	_ =	shalt  }
0x74: {  	_ =	shalt  }
0x75: {  	_ =	shalt  }
0x76: {  	_ =	shalt  }
0x77: {  	_ =	shalt  }
0x78: {  	_ =	shalt  }
0x79: {  	_ =	shalt  }
0x7a: {  	_ =	shalt  }
0x7b: {  	_ =	shalt  }
0x7c: {  	_ =	shalt  }
0x7d: {  	_ =	shalt  }
0x7e: {  	_ =	shalt  }
0x7f: {  	_ =	shalt  }
0x80: {  	_ =	shalt  }
0x81: {  	_ =	shalt  }
0x82: {  	_ =	shalt  }
0x83: {  	_ =	shalt  }
0x84: {  	_ =	shalt  }
0x85: {  	_ =	shalt  }
0x86: {  	_ =	shalt  }
0x87: {  	_ =	shalt  }
.Lfunc_end0:
.L_simem_size_0:
called_computation.1_lowered:
.L_overlay_start_0:
0x88: {  	s2 =	sld [smem:$0x3FD9]  }
0x89: {  	s3 =	sld [smem:$0x3FFE];
	_ =	sdelay $0x1  }
0x8a: {  	s1 =	srdreg.scid  }
0x8b: {  	s0 =	sand.u32 $0x1, s1  }
0x8c: {  	s17 =	sshll.u32 s0, $0xA;
	s2 =	sadd.s32 s3, s2  }
0x8d: {  	s2 =	sadd.s32 s2, s17  }
0x8e: {  	[smem:$0x3FBB] =	sst s2  }
0x8f: {  	_ = 	snop  }
0x90: {  	s18 =	sld [smem:$0x3FC7]  }
0x91: {  	s4 =	sld [smem:$0x3FC6];
	(tm) =	ssettm $0x1  }
0x92: {  	s19 =	sld [smem:$0x3FFB];
	_ =	sdelay $0x3  }
0x93: {  	_ =	strace s19  }
0x94: {  	s2 =	sld [smem:$0x3FFC];
	_ =	sdelay $0x3  }
0x95: {  	_ =	strace s2  }
0x96: {  	s2 =	sld [smem:$0x3FFD];
	_ =	sdelay $0x3  }
0x97: {  	_ =	strace s2  }
0x98: {  	_ =	strace $0x8FFFFFFF  }
0x99: {  	s20 =	sld [smem:$0x3FDB];
	_ =	sdelay $0x1  }
0x9a: {  	s5 =	simm.s32 $_scs_section_size  }
0x9b: {  	s6 =	simm.s32 $_size__tile_overlayer_lowered;
	s7 =	simm.s32 $_tile_overlayer_lowered  }
0x9c: {  	s8 =	simm.s32 $0x1BFF;
	s21 =	sshll.u32 s7, $0x1;
	s5 =	sadd.s32 s5, s20  }
0x9d: {  	s22 =	simm.s32 $0x0;
	s6 =	sshll.u32 s6, $0x1;
	s7 =	sadd.s32 s21, s5  }
0x9e: {  	[timem:s22], [sflag:s8] =	dma.local [hbm:s7], s6  }
0x9f: {  	_ =	swait.ge [sflag:s8], s6  }
0xa0: {  	s6 =	ssub.s32 $0x0, s6;
	[sflag:s8] =	ssyncset.done $0x0  }
0xa1: {  	[sflag:s8] =	ssyncadd.s32 s6;
	_ =	sdelay $0x1  }
0xa2: {  	s23 =	simm.s32 $0x1B8B  }
0xa3: {  	_ =	swait.ge [sflag:s23], $0x1  }
0xa4: {  	[sflag:s23] =	ssyncset.done $0x0  }
0xa5: {  	[sflag:s23] =	ssyncadd.s32 $0xFFFFFFFF  }
0xa6: {  	s6 =	sld [smem:$0x0]  }
0xa7: {  	s7 =	sand.u32 $0xFFFFFFFE, s1  }
0xa8: {  	p0 =	sne.s32 s1, s7  }
0xa9: {  	s7 =	sshll.u32 @p0 s7, $0xE  }
0xaa: {  	s7 =	sadd.s32 @p0 $0x11B8D, s7;
	s8 =	sshll.u32 @p0 s6, $0x11  }
0xab: {  	s7 =	sor.u32 @p0 s8, s7  }
0xac: {  	[sflag:s7] =	ssyncadd.remote.s32 @p0 $0x1;
	_ =	sdelay $0x1  }
0xad: {  	s7 =	simm.s32 @p0 $0x1B8D  }
0xae: {  	_ =	swait.eq @p0 [sflag:s7], $0x1  }
0xaf: {  	[sflag:s7] =	ssyncadd.s32 @p0 $0xFFFFFFFF  }
0xb0: {  	s8 =	sshll.u32 @!p0 s1, $0xE  }
0xb1: {  	s8 =	sor.u32 @!p0 $0x4000, s8;
	s7 =	simm.s32 @!p0 $0x1B8D  }
0xb2: {  	s6 =	sshll.u32 @!p0 s6, $0x11;
	s8 =	sadd.s32 @!p0 $0x11B8D, s8;
	_ =	swait.eq @!p0 [sflag:s7], $0x1  }
0xb3: {  	s6 =	sor.u32 @!p0 s6, s8;
	[sflag:s7] =	ssyncadd.s32 @!p0 $0xFFFFFFFF  }
0xb4: {  	s25 =	simm.s32 $0x1B8E;
	s24 =	sld [smem:$0x3FFE];
	[sflag:s6] =	ssyncadd.remote.s32 @!p0 $0x1  }
0xb5: {  	s26 =	simm.s32 $execute0_lowered;
	[smem:$0x3FD2] =	sst s25  }
0xb6: {  	s7 =	sshll.u32 s26, $0x1;
	_ =	strace $0x80000049;
	[dreg:$0x1] =	wrdreg $0xFFFFFFFF  }
0xb7: {  	s28 =	simm.s32 $_size_execute0_lowered;
	s5 =	sadd.s32 s5, s7;
	[dreg:$0x0] =	wrdreg $0x0  }
0xb8: {  	s7 =	sshll.u32 s28, $0x1;
	[dreg:$0x2] =	wrdreg s5  }
0xb9: {  	[dreg:$0x3] =	wrdreg s7  }
0xba: {  	[dreg:$0x4] =	wrdreg $0xC0  }
0xbb: {  	_ =	task [dreg:s22], $0x5FFFF  }
0xbc: {  	[dreg:$0x1] =	wrdreg $0xFFFFFFFF  }
0xbd: {  	[dreg:$0x0] =	wrdreg $0x60  }
0xbe: {  	[dreg:$0x2] =	wrdreg s24  }
0xbf: {  	[dreg:$0x3] =	wrdreg s18  }
0xc0: {  	[dreg:$0x4] =	wrdreg s4  }
0xc1: {  	[dreg:$0x5] =	wrdreg $0xA  }
0xc2: {  	_ =	task.clear_ibuf [dreg:s22], $0x6FFFF;
	_ =	strace $0x90000049  }
0xc3: {  	s29 =	simm.s32 $0xA;
	_ =	strace $0x8000004B  }
0xc4: {  	_ =	swait.ge [sflag:s29], $0x1  }
0xc5: {  	[sflag:s29] =	ssyncadd.s32 $0xFFFFFFFF  }
0xc6: {  	_ =	strace $0x9000004B  }
0xc7: {  	_ =	sfence  }
0xc8: {  	s30 =	sld [smem:$0x0];
	_ =	sdelay $0x2  }
0xc9: {  	s31 =	sshll.u32 s1, $0xD;
	s1 =	sshrl.u32 s1, $0x2  }
0xca: {  	s4 =	sand.u32 $0x4000, s31;
	s1 =	sadd.s32 s1, s30  }
0xcb: {  	s0 =	sor.u32 s4, s0;
	s1 =	sshll.u32 s1, $0x11  }
0xcc: {  	s0 =	sor.u32 s1, s0  }
0xcd: {  	s0 =	sadd.s32 $0x8F2B, s0  }
0xce: {  	[sflag:s0] =	ssyncadd.remote.s32 $0x1  }
0xcf: {  	_ =	sfence.sel $0xFFFF  }
0xd0: {  	[dreg:$0x0] =	wrdreg $0xFFFFFFFF;
	(pc) =	sbr.abs _section_cstart, $3  }
0xd1: {  	[dreg:$0x1] =	wrdreg $0xFFFFFFFF  }
0xd2: {  	_ =	task.clear_ibuf [dreg:s22], $0x2FFFF;
	_ =	strace $0x9FFFFFFF  }
0xd3: {  	(tm) =	ssettm $0x7FFFFFFF  }
tec
execute0_lowered:
.L_overlay_start_1:
0x0: {  	(tag) =	ssettag $0x1  }
0x1: {  	s7 =	rddreg [dreg:$0x0]  }
0x2: {  	s1 =	rddreg [dreg:$0x1]  }
0x3: {  	s2 =	rddreg [dreg:$0x2]  }
0x4: {  	s0 =	rddreg [dreg:$0x3];
	s4 =	simm.s32 $0x0;
	s5 =	srdreg.scid  }
0x5: {  	s3 =	stileid.u32;
	s13 =	simm.s32 $0x80;
	s14 =	simm.s32 $0x40  }
0x6: {  	s15 =	simm.s32 $0x100;
	s16 =	simm.s32 $0x2100;
	s17 =	simm.s32 $0x4100  }
0x7: {  	s18 =	simm.s32 $0x4180;
	s19 =	simm.s32 $0x1;
	s20 =	simm.s32 $0x0  }
0x8: {  	[smem:$0x7FF] =	sst s4;
	s8 =	sand.u32 $0x1, s5;
	s9 =	sshll.u32 s3, $0x7  }
0x9: {  	s5 =	sadd.s32 $0x1A00, s7;
	s6 =	sadd.s32 $0x4C00, s7;
	s10 =	sshll.u32 s8, $0x6  }
0xa: {  	_ =	strace $0x8000004A;
	s8 =	ssub.s32 $0x2, s8;
	s9 =	sor.u32 s10, s9  }
0xb: {  	s31 =	sshrl.u32 s8, $0x1;
	s10 =	sshll.u32 s9, $0x4;
	s9 =	sshrl.u32 s9, $0x3  }
0xc: {  	s12 =	ssub.s32 s8, s31;
	s10 =	sadd.s32 s10, s7;
	s11 =	sadd.s32 s9, s7  }
0xd: {  	s7 =	sadd.s32 $0x8200, s11;
	s8 =	sadd.s32 $0x8000, s11;
	s9 =	sadd.s32 $0x10600, s10  }
0xe: {  	s10 =	sadd.s32 $0x18600, s11;
	s11 =	smax.u32 s12, $0x1;
	s12 =	simm.s32 $0x2  }
.LBB2_1:
0xf: {  	[tilespmem:s4], [sflag:$0x2] =	stream.linear.gather [hbm4b:s7+s4], $0x40, $0x38;
	[tilespmem:$0x4200] =	vst v63  }
0x10: {  	_ =	swait.ge [sflag:s12], $0x40  }
0x11: {  	[sflag:s12] =	ssyncset.done $0x0  }
0x12: {  	[sflag:s12] =	ssyncadd.s32 $0xFFFFFFC0  }
0x13: {  	[tilespmem:s13], [sflag:$0x2] =	stream.linear.gather [hbm4b:s8+s4], $0x40, $0x38;
	[tilespmem:$0x4200] =	vst v63  }
0x14: {  	_ =	swait.ge [sflag:s12], $0x40  }
0x15: {  	[sflag:s12] =	ssyncset.done $0x0  }
0x16: {  	[sflag:s12] =	ssyncadd.s32 $0xFFFFFFC0  }
0x17: {  	[tilespmem:s15], [sflag:$0x1] =	stream.indirect.gather [hbm4b:s1+s14], $0x80, s4, s14, $0xb8;
	[tilespmem:$0x4200] =	vst v63  }
0x18: {  	_ = 	snop  }
0x19: {  	[tilespmem:s16], [sflag:$0x1] =	stream.indirect.gather [hbm4b:s2+s14], $0x80, s13, s14, $0xb8;
	[tilespmem:$0x4200] =	vst v63  }
0x1a: {  	_ = 	snop  }
0x1b: {  	[tilespmem:s17], [sflag:$0x1] =	stream.indirect.gather [hbm4b:s5+s14], $0x1, s4, s14, $0xb8;
	[tilespmem:$0x4200] =	vst v63  }
0x1c: {  	_ = 	snop  }
0x1d: {  	[tilespmem:s18], [sflag:$0x1] =	stream.indirect.gather [hbm4b:s6+s14], $0x1, s13, s14, $0xb8;
	[tilespmem:$0x4200] =	vst v63  }
0x1e: {  	_ =	swait.ge [sflag:s19], $0x2000  }
0x1f: {  	[sflag:s19] =	ssyncset.done $0x0  }
0x20: {  	[sflag:s19] =	ssyncadd.s32 $0xFFFFE000  }
0x21: {  	_ =	swait.ge [sflag:s19], $0x2000  }
0x22: {  	[sflag:s19] =	ssyncset.done $0x0  }
0x23: {  	[sflag:s19] =	ssyncadd.s32 $0xFFFFE000  }
0x24: {  	_ =	swait.ge [sflag:s19], $0x40  }
0x25: {  	[sflag:s19] =	ssyncset.done $0x0  }
0x26: {  	[sflag:s19] =	ssyncadd.s32 $0xFFFFFFC0  }
0x27: {  	_ =	swait.ge [sflag:s19], $0x40  }
0x28: {  	[sflag:s19] =	ssyncset.done $0x0  }
0x29: {  	s21 =	simm.s32 $0x180;
	[sflag:s19] =	ssyncadd.s32 $0xFFFFFFC0  }
0x2a: {  	s26 =	simm.s32 $0x2180;
	v0 =	vld [tilespmem:s21+$0x0]  }
0x2b: {  	v1 =	vld [tilespmem:s26+$0x0];
	_ =	sdelay $0x3  }
0x2c: {  	v2 =	vld [tilespmem:s21+$0xFFFFFF80]  }
0x2d: {  	v0 =	vmul.f32 v1, v0;
	v1 =	vld [tilespmem:s26+$0xFFFFFF80];
	_ =	sdelay $0x1  }
0x2e: {  	[tilespmem:s21+$0x0] =	vst v0;
	v0 =	vld [tilespmem:s21+$0x10]  }
0x2f: {  	v3 =	vld [tilespmem:s26+$0x10];
	_ =	sdelay $0x1  }
0x30: {  	v1 =	vmul.f32 v1, v2;
	_ =	sdelay $0x1  }
0x31: {  	v4 =	vld [tilespmem:s21+$0xFFFFFF90];
	[tilespmem:s21+$0xFFFFFF80] =	vst v1  }
0x32: {  	v0 =	vmul.f32 v3, v0;
	v1 =	vld [tilespmem:s26+$0xFFFFFF90];
	_ =	sdelay $0x1  }
0x33: {  	[tilespmem:s21+$0x10] =	vst v0;
	v0 =	vld [tilespmem:s21+$0x20]  }
0x34: {  	v3 =	vld [tilespmem:s26+$0x20]  }
0x35: {  	v5 =	vld [tilespmem:s21+$0xFFFFFFB0]  }
0x36: {  	s22 =	simm.s32 $0x280;
	v6 =	vld [tilespmem:s21+$0xFFFFFFD0];
	v1 =	vmul.f32 v1, v4  }
0x37: {  	v7 =	vld [tilespmem:s22+$0x0]  }
0x38: {  	v2 =	vld [tilespmem:s21+$0xFFFFFFA0];
	[tilespmem:s21+$0xFFFFFF90] =	vst v1  }
0x39: {  	v0 =	vmul.f32 v3, v0;
	v1 =	vld [tilespmem:s26+$0xFFFFFFA0]  }
0x3a: {  	v8 =	vld [tilespmem:s21+$0xFFFFFFE0]  }
0x3b: {  	[tilespmem:s21+$0x20] =	vst v0;
	v0 =	vld [tilespmem:s21+$0x30]  }
0x3c: {  	s23 =	simm.s32 $0x2280;
	v3 =	vld [tilespmem:s26+$0x30]  }
0x3d: {  	v10 =	vld [tilespmem:s23+$0xFFFFFF80]  }
0x3e: {  	v1 =	vmul.f32 v1, v2;
	v2 =	vld [tilespmem:s23+$0x0]  }
0x3f: {  	v12 =	vld [tilespmem:s22+$0xFFFFFF90]  }
0x40: {  	s25 =	simm.s32 $0x2380;
	v13 =	vld [tilespmem:s22+$0xFFFFFFD0]  }
0x41: {  	v15 =	vld [tilespmem:s25+$0xFFFFFF80];
	v0 =	vmul.f32 v3, v0  }
0x42: {  	[tilespmem:s21+$0xFFFFFFA0] =	vst v1;
	v1 =	vld [tilespmem:s21+$0x40]  }
0x43: {  	[tilespmem:s21+$0x30] =	vst v0;
	v2 =	vmul.f32 v2, v7;
	v7 =	vld [tilespmem:s22+$0xFFFFFF80]  }
0x44: {  	s24 =	simm.s32 $0x380;
	v9 =	vld [tilespmem:s26+$0x40]  }
0x45: {  	v16 =	vld [tilespmem:s24+$0xFFFFFF80]  }
0x46: {  	v3 =	vld [tilespmem:s26+$0xFFFFFFB0]  }
0x47: {  	v17 =	vld [tilespmem:s22+$0x50]  }
0x48: {  	[tilespmem:s22+$0x0] =	vst v2;
	v2 =	vld [tilespmem:s22+$0x10];
	v7 =	vmul.f32 v10, v7  }
0x49: {  	v11 =	vld [tilespmem:s23+$0x10];
	v1 =	vmul.f32 v9, v1  }
0x4a: {  	v9 =	vld [tilespmem:s21+$0x50];
	[tilespmem:s22+$0xFFFFFF80] =	vst v7  }
0x4b: {  	[tilespmem:s21+$0x40] =	vst v1;
	v1 =	vmul.f32 v3, v5;
	v5 =	vld [tilespmem:s23+$0xFFFFFF90]  }
0x4c: {  	v3 =	vld [tilespmem:s26+$0x50]  }
0x4d: {  	v60 =	vld [tilespmem:s24+$0xFFFFFFA0]  }
0x4e: {  	v4 =	vld [tilespmem:s21+$0xFFFFFFC0];
	v2 =	vmul.f32 v11, v2;
	[tilespmem:s21+$0xFFFFFFB0] =	vst v1  }
0x4f: {  	v1 =	vld [tilespmem:s26+$0xFFFFFFC0]  }
0x50: {  	[tilespmem:s22+$0x10] =	vst v2;
	v2 =	vld [tilespmem:s22+$0x20]  }
0x51: {  	v5 =	vmul.f32 v5, v12;
	v3 =	vmul.f32 v3, v9;
	v9 =	vld [tilespmem:s23+$0x20]  }
0x52: {  	v18 =	vld [tilespmem:s22+$0x60];
	v15 =	vmul.f32 v15, v16  }
0x53: {  	v10 =	vld [tilespmem:s22+$0xFFFFFFA0];
	[tilespmem:s22+$0xFFFFFF90] =	vst v5  }
0x54: {  	[tilespmem:s24+$0xFFFFFF80] =	vst v15;
	v1 =	vmul.f32 v1, v4;
	v4 =	vld [tilespmem:s23+$0xFFFFFFA0]  }
0x55: {  	v15 =	vld [tilespmem:s25+$0xFFFFFF90]  }
0x56: {  	v0 =	vld [tilespmem:s21+$0xFFFFFFF0];
	[tilespmem:s21+$0xFFFFFFC0] =	vst v1;
	v1 =	vmul.f32 v9, v2  }
0x57: {  	v7 =	vld [tilespmem:s22+$0xFFFFFFB0]  }
0x58: {  	v5 =	vld [tilespmem:s22+$0x30];
	[tilespmem:s22+$0x20] =	vst v1  }
0x59: {  	v4 =	vmul.f32 v4, v10;
	v10 =	vld [tilespmem:s23+$0x30]  }
0x5a: {  	v2 =	vld [tilespmem:s26+$0xFFFFFFD0]  }
0x5b: {  	v11 =	vld [tilespmem:s21+$0x60]  }
0x5c: {  	v12 =	vld [tilespmem:s22+$0xFFFFFFC0];
	[tilespmem:s21+$0x50] =	vst v3  }
0x5d: {  	v3 =	vld [tilespmem:s26+$0x60]  }
0x5e: {  	[tilespmem:s22+$0xFFFFFFA0] =	vst v4;
	v4 =	vld [tilespmem:s24+$0x0];
	v5 =	vmul.f32 v10, v5  }
0x5f: {  	v2 =	vmul.f32 v2, v6;
	v6 =	vld [tilespmem:s25+$0x0]  }
0x60: {  	v10 =	vld [tilespmem:s22+$0x40];
	[tilespmem:s22+$0x30] =	vst v5  }
0x61: {  	v5 =	vld [tilespmem:s23+$0x40]  }
0x62: {  	v9 =	vld [tilespmem:s21+$0x70];
	v3 =	vmul.f32 v3, v11  }
0x63: {  	v1 =	vld [tilespmem:s22+$0xFFFFFFE0]  }
0x64: {  	[tilespmem:s21+$0x60] =	vst v3;
	v3 =	vld [tilespmem:s23+$0xFFFFFFB0];
	v4 =	vmul.f32 v6, v4  }
0x65: {  	v6 =	vld [tilespmem:s24+$0xFFFFFF90]  }
0x66: {  	[tilespmem:s24+$0x0] =	vst v4;
	v4 =	vld [tilespmem:s24+$0x10];
	v5 =	vmul.f32 v5, v10  }
0x67: {  	v10 =	vld [tilespmem:s25+$0x10]  }
0x68: {  	v11 =	vld [tilespmem:s26+$0x70];
	[tilespmem:s22+$0x40] =	vst v5  }
0x69: {  	v3 =	vmul.f32 v3, v7;
	v7 =	vld [tilespmem:s23+$0x50]  }
0x6a: {  	[tilespmem:s21+$0xFFFFFFD0] =	vst v2;
	v2 =	vld [tilespmem:s22+$0xFFFFFFF0]  }
0x6b: {  	v14 =	vld [tilespmem:s26+$0xFFFFFFE0];
	[tilespmem:s22+$0xFFFFFFB0] =	vst v3;
	v6 =	vmul.f32 v15, v6  }
0x6c: {  	v3 =	vmul.f32 v10, v4;
	v10 =	vld [tilespmem:s23+$0xFFFFFFC0]  }
0x6d: {  	[tilespmem:s24+$0xFFFFFF90] =	vst v6;
	v6 =	vld [tilespmem:s24+$0xFFFFFFE0]  }
0x6e: {  	v5 =	vld [tilespmem:s24+$0xFFFFFFB0];
	[tilespmem:s24+$0x10] =	vst v3;
	v3 =	vmul.f32 v7, v17  }
0x6f: {  	v7 =	vld [tilespmem:s24+$0x20]  }
0x70: {  	v15 =	vld [tilespmem:s25+$0x20];
	[tilespmem:s22+$0x50] =	vst v3  }
0x71: {  	v10 =	vmul.f32 v10, v12;
	v12 =	vld [tilespmem:s23+$0x60]  }
0x72: {  	v61 =	vld [tilespmem:s25+$0xFFFFFFA0]  }
0x73: {  	v4 =	vld [tilespmem:s24+$0xFFFFFFC0];
	[tilespmem:s22+$0xFFFFFFC0] =	vst v10  }
0x74: {  	v10 =	vld [tilespmem:s23+$0xFFFFFFD0]  }
0x75: {  	v3 =	vld [tilespmem:s24+$0xFFFFFFD0];
	v7 =	vmul.f32 v15, v7  }
0x76: {  	v15 =	vld [tilespmem:s22+$0x70];
	v12 =	vmul.f32 v12, v18  }
0x77: {  	[tilespmem:s24+$0x20] =	vst v7;
	v7 =	vmul.f32 v14, v8;
	v14 =	vld [tilespmem:s24+$0x30]  }
0x78: {  	v8 =	vmul.f32 v61, v60;
	v62 =	vld [tilespmem:s25+$0x30];
	[tilespmem:s22+$0x60] =	vst v12  }
0x79: {  	[tilespmem:s21+$0xFFFFFFE0] =	vst v7;
	v7 =	vmul.f32 v10, v13;
	v63 =	vld [tilespmem:s23+$0x70]  }
0x7a: {  	[tilespmem:s24+$0xFFFFFFA0] =	vst v8;
	v8 =	vld [tilespmem:s26+$0xFFFFFFF0]  }
0x7b: {  	v12 =	vld [tilespmem:s25+$0xFFFFFFB0];
	[tilespmem:s22+$0xFFFFFFD0] =	vst v7  }
0x7c: {  	v10 =	vmul.f32 v11, v9;
	v9 =	vld [tilespmem:s23+$0xFFFFFFE0]  }
0x7d: {  	v7 =	vld [tilespmem:s24+$0xFFFFFFF0];
	v13 =	vmul.f32 v62, v14  }
0x7e: {  	s28 =	simm.s32 $0x4;
	s29 =	simm.s32 $0x480;
	s26 =	simm.s32 $0x2380;
	[tilespmem:s21+$0x70] =	vst v10;
	v10 =	vld [tilespmem:s24+$0x40];
	v11 =	vmul.f32 v63, v15  }
.LBB2_2:
0x7f: {  	v14 =	vld [tilespmem:s29+$0x0];
	[tilespmem:s24+$0x30] =	vst v13;
	s25 =	sadd.s32 $0x100, s25;
	v8 =	vmul.f32 v8, v0;
	v0 =	vmov v2  }
0x80: {  	v13 =	vld [tilespmem:s25+$0x0];
	v12 =	vmul.f32 v12, v5;
	[tilespmem:s22+$0x70] =	vst v11  }
0x81: {  	s28 =	sadd.s32 $0x2, s28;
	v5 =	vld [tilespmem:s26+$0x40];
	v9 =	vmul.f32 v9, v1;
	[tilespmem:s21+$0xFFFFFFF0] =	vst v8;
	v1 =	vmov v6;
	s21 =	smov.u32 s22;
	s22 =	smov.u32 s24  }
0x82: {  	p0 =	slt.u32 s28, $0x3E;
	s24 =	smov.u32 s29;
	v6 =	vld [tilespmem:s25+$0xFFFFFF80];
	[tilespmem:s22+$0xFFFFFFB0] =	vst v12;
	v2 =	vmov v7  }
0x83: {  	v7 =	vld [tilespmem:s29+$0xFFFFFF80];
	[tilespmem:s21+$0xFFFFFFE0] =	vst v9  }
0x84: {  	v8 =	vld [tilespmem:s29+$0xFFFFFF90]  }
0x85: {  	v9 =	vld [tilespmem:s29+$0xFFFFFFA0];
	v11 =	vmul.f32 v13, v14  }
0x86: {  	v5 =	vmul.f32 v5, v10;
	v10 =	vld [tilespmem:s22+$0x50]  }
0x87: {  	[tilespmem:s29+$0x0] =	vst v11;
	v11 =	vld [tilespmem:s29+$0x10]  }
0x88: {  	v6 =	vmul.f32 v6, v7;
	v7 =	vld [tilespmem:s25+$0x10];
	[tilespmem:s22+$0x40] =	vst v5  }
0x89: {  	v12 =	vld [tilespmem:s26+$0x50]  }
0x8a: {  	[tilespmem:s29+$0xFFFFFF80] =	vst v6;
	v5 =	vld [tilespmem:s29+$0xFFFFFFB0]  }
0x8b: {  	v6 =	vld [tilespmem:s25+$0xFFFFFF90]  }
0x8c: {  	v13 =	vld [tilespmem:s26+$0xFFFFFFC0]  }
0x8d: {  	v14 =	vld [tilespmem:s29+$0xFFFFFFC0];
	v7 =	vmul.f32 v7, v11  }
0x8e: {  	v10 =	vmul.f32 v12, v10;
	v11 =	vld [tilespmem:s22+$0x60]  }
0x8f: {  	[tilespmem:s29+$0x10] =	vst v7;
	v7 =	vld [tilespmem:s29+$0x20]  }
0x90: {  	v6 =	vmul.f32 v6, v8;
	v8 =	vld [tilespmem:s25+$0x20];
	[tilespmem:s22+$0x50] =	vst v10  }
0x91: {  	v10 =	vmul.f32 v13, v4;
	v12 =	vld [tilespmem:s26+$0x60]  }
0x92: {  	[tilespmem:s29+$0xFFFFFF90] =	vst v6;
	v13 =	vld [tilespmem:s29+$0xFFFFFFD0];
	v4 =	vmov v14  }
0x93: {  	v14 =	vld [tilespmem:s25+$0xFFFFFFA0];
	[tilespmem:s22+$0xFFFFFFC0] =	vst v10  }
0x94: {  	v10 =	vld [tilespmem:s26+$0xFFFFFFD0]  }
0x95: {  	v6 =	vld [tilespmem:s29+$0xFFFFFFE0];
	v7 =	vmul.f32 v8, v7  }
0x96: {  	v8 =	vmul.f32 v12, v11;
	v11 =	vld [tilespmem:s22+$0x70]  }
0x97: {  	[tilespmem:s29+$0x20] =	vst v7;
	v15 =	vld [tilespmem:s29+$0x30]  }
0x98: {  	v7 =	vmul.f32 v14, v9;
	v14 =	vld [tilespmem:s25+$0x30];
	[tilespmem:s22+$0x60] =	vst v8  }
0x99: {  	v9 =	vmul.f32 v10, v3;
	v16 =	vld [tilespmem:s26+$0x70];
	v3 =	vmov v13  }
.Ltmp0:
0x9a: {  	[tilespmem:s29+$0xFFFFFFA0] =	vst v7;
	v8 =	vld [tilespmem:s23+$0xFFFFFFF0];
	s23 =	smov.u32 s26;
	s26 =	smov.u32 s25;
	(pc) =	sbr.rel @p0 .LBB2_2-.Ltmp0, $4  }
0x9b: {  	v12 =	vld [tilespmem:s25+$0xFFFFFFB0];
	[tilespmem:s22+$0xFFFFFFD0] =	vst v9  }
0x9c: {  	v9 =	vld [tilespmem:s23+$0xFFFFFFE0]  }
0x9d: {  	v7 =	vld [tilespmem:s29+$0xFFFFFFF0];
	v13 =	vmul.f32 v14, v15  }
0x9e: {  	s29 =	sadd.s32 $0x100, s29;
	v10 =	vld [tilespmem:s24+$0x40];
	v11 =	vmul.f32 v16, v11  }
0x9f: {  	_ = 	snop  }
0xa0: {  	v5 =	vmul.f32 v12, v5  }
0xa1: {  	[tilespmem:s24+$0x30] =	vst v13  }
0xa2: {  	v45 =	vld [tilespmem:s26+$0x40];
	[tilespmem:s24+$0xFFFFFFB0] =	vst v5  }
0xa3: {  	v5 =	vld [tilespmem:s26+$0xFFFFFFC0];
	_ =	sdelay $0x3  }
0xa4: {  	v10 =	vmul.f32 v45, v10  }
0xa5: {  	v4 =	vmul.f32 v5, v4  }
0xa6: {  	v46 =	vld [tilespmem:s24+$0x50];
	[tilespmem:s24+$0x40] =	vst v10  }
0xa7: {  	v47 =	vld [tilespmem:s26+$0x50];
	[tilespmem:s24+$0xFFFFFFC0] =	vst v4  }
0xa8: {  	v4 =	vld [tilespmem:s26+$0xFFFFFFD0];
	_ =	sdelay $0x3  }
0xa9: {  	v5 =	vmul.f32 v47, v46  }
0xaa: {  	v3 =	vmul.f32 v4, v3  }
0xab: {  	v48 =	vld [tilespmem:s24+$0x60];
	[tilespmem:s24+$0x50] =	vst v5  }
0xac: {  	v49 =	vld [tilespmem:s26+$0x60];
	[tilespmem:s24+$0xFFFFFFD0] =	vst v3  }
0xad: {  	v3 =	vld [tilespmem:s26+$0xFFFFFFE0];
	_ =	sdelay $0x2  }
0xae: {  	v1 =	vmul.f32 v9, v1  }
0xaf: {  	v4 =	vmul.f32 v49, v48  }
0xb0: {  	v50 =	vld [tilespmem:s24+$0x70];
	[tilespmem:s22+$0xFFFFFFE0] =	vst v1;
	v3 =	vmul.f32 v3, v6  }
0xb1: {  	v52 =	vld [tilespmem:s23+$0xFFFFFFF0];
	[tilespmem:s24+$0x60] =	vst v4  }
0xb2: {  	v51 =	vld [tilespmem:s26+$0x70];
	[tilespmem:s24+$0xFFFFFFE0] =	vst v3  }
0xb3: {  	v3 =	vld [tilespmem:s26+$0xFFFFFFF0];
	_ =	sdelay $0x1  }
0xb4: {  	v0 =	vmul.f32 v8, v0  }
0xb5: {  	[tilespmem:s22+$0x70] =	vst v11;
	v53 =	vmul.f32 v52, v2  }
0xb6: {  	[tilespmem:s21+$0xFFFFFFF0] =	vst v0;
	v1 =	vmul.f32 v51, v50  }
0xb7: {  	[tilespmem:s22+$0xFFFFFFF0] =	vst v53;
	v54 =	vmul.f32 v3, v7  }
0xb8: {  	[tilespmem:s24+$0x70] =	vst v1  }
0xb9: {  	[tilespmem:s24+$0xFFFFFFF0] =	vst v54  }
0xba: {  	v0 =	vld [tilespmem:$0x4100]  }
0xbb: {  	v1 =	vld [tilespmem:$0x4180]  }
0xbc: {  	v55 =	vld [tilespmem:$0x4110]  }
0xbd: {  	v56 =	vld [tilespmem:$0x4190]  }
0xbe: {  	v57 =	vld [tilespmem:$0x4120]  }
0xbf: {  	v58 =	vld [tilespmem:$0x41A0]  }
0xc0: {  	v59 =	vld [tilespmem:$0x4130]  }
0xc1: {  	v60 =	vld [tilespmem:$0x41B0];
	_ =	sdelay $0x1  }
0xc2: {  	v0 =	vadd.f32 v1, v0  }
0xc3: {  	v61 =	vadd.f32 v56, v55  }
0xc4: {  	v62 =	vadd.f32 v58, v57;
	[tilespmem:$0x4100] =	vst v0  }
0xc5: {  	v63 =	vadd.f32 v60, v59;
	[tilespmem:$0x4110] =	vst v61  }
0xc6: {  	[tilespmem:$0x4120] =	vst v62  }
0xc7: {  	[tilespmem:$0x4130] =	vst v63  }
0xc8: {  	[hbm4b:s9+s4] =	stream.linear.scatter [tilespmem:s15], [sflag:$0x2], $0x2000, $0x38;
	[tilespmem:$0x4200] =	vst v63  }
0xc9: {  	s20 =	sadd.s32 $0x1, s20;
	_ =	swait.ge [sflag:s12], $0x2000  }
0xca: {  	p0 =	sne.s32 s20, s11;
	[sflag:s12] =	ssyncset.done $0x0  }
.Ltmp1:
0xcb: {  	[sflag:s12] =	ssyncadd.s32 $0xFFFFE000;
	(pc) =	sbr.rel @p0 .LBB2_1-.Ltmp1, $4  }
0xcc: {  	[hbm4b:s10+s4] =	stream.linear.scatter [tilespmem:s17], [sflag:$0x2], $0x40, $0x38;
	[tilespmem:$0x4200] =	vst v63  }
0xcd: {  	_ =	swait.ge [sflag:s12], $0x40  }
0xce: {  	[sflag:s12] =	ssyncset.done $0x0  }
0xcf: {  	[sflag:s12] =	ssyncadd.s32 $0xFFFFFFC0  }
0xd0: {  	_ =	sfence.sel $0x180000  }
0xd1: {  	[bflag:$0x0] =	sbarrier.arrive $0xFFFF  }
0xd2: {  	p0 =	sne.s32 s3, $0x0;
	_ =	strace $0x9000004A  }
0xd3: {  	s0 =	sadd.s32 @!p0 $0x100000, s0;
	[bflag:$0x2] =	sbarrier.arrive $0xFFFF  }
0xd4: {  	[sflag:s0] =	ssyncadd.tile.s32 @!p0 $0x1;
	_ =	shalt  }
.Lfunc_end2:
_tile_overlayer_lowered:
.L_overlay_start_2:
0xd5: {  	(tag) =	ssettag $0x2  }
0xd6: {  	s0 =	rddreg [dreg:$0x0];
	s2 =	stileid.u32  }
0xd7: {  	s1 =	rddreg [dreg:$0x1];
	p0 =	sne.s32 s2, $0x0  }
0xd8: {  	s3 =	rddreg [dreg:$0x2];
	[bflag:$0x3] =	sbarrier.arrive $0xFFFF;
	s2 =	simm.s32 @!p0 $0x1C02  }
0xd9: {  	[timem:s3], [sflag:s2] =	dma.local @!p0 [hbm:s0], s1  }
0xda: {  	s0 =	simm.s32 @!p0 $0x2  }
0xdb: {  	_ =	swait.ge @!p0 [sflag:s0], s1  }
0xdc: {  	s1 =	ssub.s32 @!p0 $0x0, s1;
	[sflag:s0] =	ssyncset.done @!p0 $0x0  }
0xdd: {  	[sflag:s0] =	ssyncadd.s32 @!p0 s1  }
0xde: {  	[bflag:$0x3] =	sbarrier.arrive $0xFFFF  }
0xdf: {  	_ =	shalt  }

</sc_bundles>
